<compile_context>
chip_gen: v7x
topology: tpu7x:2x2x1
jax: 0.10.2.dev20260603
libtpu: 0.0.44.dev20260713+nightly
codegen_flags: <defaults>
</compile_context>

<pallas_src>
import jax
import jax.numpy as jnp
from jax import lax
from jax.experimental import pallas as pl
from jax.experimental.pallas import tpu as pltpu
from jax.experimental.pallas import tpu_sc as plsc

_NUM_CLASSES = 805
_K0S = (0, 200, 400, 600)
_KBS = (200, 200, 200, 205)
_NJ = 50
_LANES = 128


def _zero_buf(buf, kb):
    def step(c, _):
        buf[c // 8, pl.ds((c % 8) * 16, 16)] = jnp.zeros((16,), jnp.int32)
        return ()

    lax.fori_loop(0, kb * 8, step, ())


def _scatter(buf, xbuf, j, k0, kb, value):
    ones = jnp.full((16,), value, jnp.int32)
    for v in range(8):
        xv = xbuf[j, pl.ds(16 * v, 16)]
        kvec = xv - k0
        lanes = lax.iota(jnp.int32, 16) + 16 * v
        mask = (xv >= k0) & (xv < k0 + kb)
        plsc.store_scatter(buf, [kvec, lanes], ones, mask=mask)


def _sc_body(x_hbm, out_hbm, xbuf, b0, b1, b2, b3, s0, s1, s2, s3):
    w = lax.axis_index("s") * 2 + lax.axis_index("c")
    bufs = (b0, b1, b2, b3)
    sems = (s0, s1, s2, s3)
    for s in range(4):
        _zero_buf(bufs[s], _KBS[s])
    pltpu.sync_copy(x_hbm.at[:, w], xbuf)

    def body(j, _):
        for s in range(4):
            k0, kb = _K0S[s], _KBS[s]
            buf, sem = bufs[s], sems[s]
            dst = out_hbm.at[j, pl.ds(k0, kb), pl.ds(_LANES * w, _LANES)]

            @pl.when(j > 0)
            def _():
                prev = out_hbm.at[j - 1, pl.ds(k0, kb),
                                  pl.ds(_LANES * w, _LANES)]
                pltpu.make_async_copy(buf, prev, sem).wait()
                _scatter(buf, xbuf, j - 1, k0, kb, 0)

            _scatter(buf, xbuf, j, k0, kb, 1)
            pltpu.make_async_copy(buf, dst, sem).start()
        return ()

    lax.fori_loop(0, _NJ, body, ())
    for s in range(4):
        k0, kb = _K0S[s], _KBS[s]
        last = out_hbm.at[_NJ - 1, pl.ds(k0, kb), pl.ds(_LANES * w, _LANES)]
        pltpu.make_async_copy(bufs[s], last, sems[s]).wait()


def kernel(x):
    n, m = x.shape
    x3 = x.T.reshape(m, n // _LANES, _LANES)
    mesh = plsc.VectorSubcoreMesh(core_axis_name="c", subcore_axis_name="s")
    run = pl.kernel(
        _sc_body,
        mesh=mesh,
        compiler_params=pltpu.CompilerParams(needs_layout_passes=False),
        out_type=jax.ShapeDtypeStruct((m, _NUM_CLASSES, n), jnp.int32),
        scratch_types=[
            pltpu.VMEM((_NJ, _LANES), jnp.int32),
            pltpu.VMEM((_KBS[0], _LANES), jnp.int32),
            pltpu.VMEM((_KBS[1], _LANES), jnp.int32),
            pltpu.VMEM((_KBS[2], _LANES), jnp.int32),
            pltpu.VMEM((_KBS[3], _LANES), jnp.int32),
            pltpu.SemaphoreType.DMA,
            pltpu.SemaphoreType.DMA,
            pltpu.SemaphoreType.DMA,
            pltpu.SemaphoreType.DMA,
        ],
    )
    out_t = run(x3)
    return jnp.transpose(out_t, (2, 0, 1))

# --- scband reference (transcript-rebuilt; emitter-appended) ---
"""Pipeline reference for scband-one-hot-58325655880235 (READ-ONLY COPY).

The authoritative reference and input builder live on the scoring server;
editing this copy changes nothing except your own understanding.
"""

import jax, jax.numpy as jnp
import numpy as np

NUM_CLASSES = 805

def setup_inputs(seed: int = 0) -> dict:
    key = jax.random.key(seed)
    x = jax.random.randint(key, (4096, 50), 0, NUM_CLASSES, dtype=jnp.int32)
    return {"x": x}

def reference(x) -> jnp.ndarray:
    # torch.nn.functional.one_hot(x, num_classes) returns an integer tensor of
    # shape x.shape + (num_classes,). Faithful translation via jax.nn.one_hot
    # with an integer dtype (torch returns int64; we use int32 since jax
    # defaults to 32-bit).
    return jax.nn.one_hot(x, NUM_CLASSES, dtype=jnp.int32)

if __name__ == "__main__":
    import jax
    _d = setup_inputs()
    print(jax.jit(kernel)(*tuple(_d.values())))

</pallas_src>

<mosaic_0001>
#map = affine_map<(d0, d1) -> (0, 0, 0)>
module attributes {stable_mosaic.version = 14 : i64} {
  func.func @_sc_body(%arg0: i32, %arg1: i32, %arg2: memref<50x32x128xi32, #tpu.memory_space<hbm>>, %arg3: memref<50x805x4096xi32, #tpu.memory_space<hbm>>, %arg4: memref<50x128xi32, #tpu.memory_space<vmem>>, %arg5: memref<200x128xi32, #tpu.memory_space<vmem>>, %arg6: memref<200x128xi32, #tpu.memory_space<vmem>>, %arg7: memref<200x128xi32, #tpu.memory_space<vmem>>, %arg8: memref<205x128xi32, #tpu.memory_space<vmem>>, %arg9: memref<!tpu.dma_semaphore, #tpu.memory_space<semaphore_mem>>, %arg10: memref<!tpu.dma_semaphore, #tpu.memory_space<semaphore_mem>>, %arg11: memref<!tpu.dma_semaphore, #tpu.memory_space<semaphore_mem>>, %arg12: memref<!tpu.dma_semaphore, #tpu.memory_space<semaphore_mem>>) attributes {dimension_semantics = [#tpu.dimension_semantics<core_parallel>, #tpu.dimension_semantics<subcore_parallel>], iteration_bounds = array<i64: 2, 16>, scalar_prefetch = 0 : i64, scratch_operands = 9 : i64, tpu.core_type = #tpu.core_type<sc_vector_subcore>, window_params = [{transform_indices = #map}, {transform_indices = #map}]} {
    %mul3A = arith.constant 2 : i32
    %mul3A_0 = arith.muli %arg1, %mul3A : i32
    %add3A = arith.addi %mul3A_0, %arg0 : i32
    %scan3A = arith.constant 0 : i32
    %scan3A_1 = arith.constant 1600 : i32
    %scan3A_2 = arith.addi %scan3A, %scan3A_1 : i32
    %scan3A_3 = arith.constant 1 : i32
    scf.for %scan3A_60 = %scan3A to %scan3A_2 step %scan3A_3  : i32 {
      %broadcast_in_dim3A = arith.constant 0 : i32
      %broadcast_in_dim3A_61 = vector.broadcast %broadcast_in_dim3A : i32 to vector<16xi32>
      %jit3A = arith.constant 8 : i32
      %div3A = arith.divsi %scan3A_60, %jit3A : i32
      %sign3A = arith.constant 0 : i32
      %sign3A_62 = arith.cmpi sgt, %scan3A_60, %sign3A : i32
      %sign3A_63 = arith.extui %sign3A_62 : i1 to i32
      %sign3A_64 = arith.constant 0 : i32
      %sign3A_65 = arith.cmpi slt, %scan3A_60, %sign3A_64 : i32
      %sign3A_66 = arith.extui %sign3A_65 : i1 to i32
      %sign3A_67 = arith.subi %sign3A_63, %sign3A_66 : i32
      %sign3A_68 = arith.constant 0 : i32
      %sign3A_69 = arith.cmpi sgt, %jit3A, %sign3A_68 : i32
      %sign3A_70 = arith.extui %sign3A_69 : i1 to i32
      %sign3A_71 = arith.constant 0 : i32
      %sign3A_72 = arith.cmpi slt, %jit3A, %sign3A_71 : i32
      %sign3A_73 = arith.extui %sign3A_72 : i1 to i32
      %sign3A_74 = arith.subi %sign3A_70, %sign3A_73 : i32
      %ne3A = arith.cmpi ne, %sign3A_67, %sign3A_74 : i32
      %rem3A = arith.remsi %scan3A_60, %jit3A : i32
      %ne3A_75 = arith.constant 0 : i32
      %ne3A_76 = arith.cmpi ne, %rem3A, %ne3A_75 : i32
      %and3A = arith.andi %ne3A, %ne3A_76 : i1
      %sub3A = arith.constant 1 : i32
      %sub3A_77 = arith.subi %div3A, %sub3A : i32
      %select_n3A = arith.select %and3A, %sub3A_77, %div3A : i32
      %jit3A_78 = arith.constant 8 : i32
      %eq3A = arith.constant 0 : i32
      %eq3A_79 = arith.cmpi eq, %jit3A_78, %eq3A : i32
      %jit3A_80 = arith.constant 1 : i32
      %select_n3A_81 = arith.select %eq3A_79, %jit3A_80, %jit3A_78 : i32
      %rem3A_82 = arith.remsi %scan3A_60, %select_n3A_81 : i32
      %ne3A_83 = arith.constant 0 : i32
      %ne3A_84 = arith.cmpi ne, %rem3A_82, %ne3A_83 : i32
      %lt3A = arith.constant 0 : i32
      %lt3A_85 = arith.cmpi slt, %rem3A_82, %lt3A : i32
      %lt3A_86 = arith.constant 0 : i32
      %lt3A_87 = arith.cmpi slt, %select_n3A_81, %lt3A_86 : i32
      %ne3A_88 = arith.xori %lt3A_85, %lt3A_87 : i1
      %and3A_89 = arith.andi %ne3A_88, %ne3A_84 : i1
      %add3A_90 = arith.addi %rem3A_82, %select_n3A_81 : i32
      %select_n3A_91 = arith.select %and3A_89, %add3A_90, %rem3A_82 : i32
      %mul3A_92 = arith.constant 16 : i32
      %mul3A_93 = arith.muli %select_n3A_91, %mul3A_92 : i32
      %swap3A = arith.index_cast %select_n3A : i32 to index
      %swap3A_94 = arith.index_cast %mul3A_93 : i32 to index
      %swap3A_95 = tpu.vector_load %arg5[%swap3A, %swap3A_94] {strides = array<i32>} : memref<200x128xi32, #tpu.memory_space<vmem>>, vector<16xi32>,
      tpu.vector_store %arg5[%swap3A, %swap3A_94], %broadcast_in_dim3A_61 {strides = array<i32>} : memref<200x128xi32, #tpu.memory_space<vmem>>, vector<16xi32>,
    }
    %scan3A_4 = arith.constant 1600 : i32
    %scan3A_5 = arith.constant 0 : i32
    %scan3A_6 = arith.constant 1600 : i32
    %scan3A_7 = arith.addi %scan3A_5, %scan3A_6 : i32
    %scan3A_8 = arith.constant 1 : i32
    scf.for %scan3A_60 = %scan3A_5 to %scan3A_7 step %scan3A_8  : i32 {
      %broadcast_in_dim3A = arith.constant 0 : i32
      %broadcast_in_dim3A_61 = vector.broadcast %broadcast_in_dim3A : i32 to vector<16xi32>
      %jit3A = arith.constant 8 : i32
      %div3A = arith.divsi %scan3A_60, %jit3A : i32
      %sign3A = arith.constant 0 : i32
      %sign3A_62 = arith.cmpi sgt, %scan3A_60, %sign3A : i32
      %sign3A_63 = arith.extui %sign3A_62 : i1 to i32
      %sign3A_64 = arith.constant 0 : i32
      %sign3A_65 = arith.cmpi slt, %scan3A_60, %sign3A_64 : i32
      %sign3A_66 = arith.extui %sign3A_65 : i1 to i32
      %sign3A_67 = arith.subi %sign3A_63, %sign3A_66 : i32
      %sign3A_68 = arith.constant 0 : i32
      %sign3A_69 = arith.cmpi sgt, %jit3A, %sign3A_68 : i32
      %sign3A_70 = arith.extui %sign3A_69 : i1 to i32
      %sign3A_71 = arith.constant 0 : i32
      %sign3A_72 = arith.cmpi slt, %jit3A, %sign3A_71 : i32
      %sign3A_73 = arith.extui %sign3A_72 : i1 to i32
      %sign3A_74 = arith.subi %sign3A_70, %sign3A_73 : i32
      %ne3A = arith.cmpi ne, %sign3A_67, %sign3A_74 : i32
      %rem3A = arith.remsi %scan3A_60, %jit3A : i32
      %ne3A_75 = arith.constant 0 : i32
      %ne3A_76 = arith.cmpi ne, %rem3A, %ne3A_75 : i32
      %and3A = arith.andi %ne3A, %ne3A_76 : i1
      %sub3A = arith.constant 1 : i32
      %sub3A_77 = arith.subi %div3A, %sub3A : i32
      %select_n3A = arith.select %and3A, %sub3A_77, %div3A : i32
      %jit3A_78 = arith.constant 8 : i32
      %eq3A = arith.constant 0 : i32
      %eq3A_79 = arith.cmpi eq, %jit3A_78, %eq3A : i32
      %jit3A_80 = arith.constant 1 : i32
      %select_n3A_81 = arith.select %eq3A_79, %jit3A_80, %jit3A_78 : i32
      %rem3A_82 = arith.remsi %scan3A_60, %select_n3A_81 : i32
      %ne3A_83 = arith.constant 0 : i32
      %ne3A_84 = arith.cmpi ne, %rem3A_82, %ne3A_83 : i32
      %lt3A = arith.constant 0 : i32
      %lt3A_85 = arith.cmpi slt, %rem3A_82, %lt3A : i32
      %lt3A_86 = arith.constant 0 : i32
      %lt3A_87 = arith.cmpi slt, %select_n3A_81, %lt3A_86 : i32
      %ne3A_88 = arith.xori %lt3A_85, %lt3A_87 : i1
      %and3A_89 = arith.andi %ne3A_88, %ne3A_84 : i1
      %add3A_90 = arith.addi %rem3A_82, %select_n3A_81 : i32
      %select_n3A_91 = arith.select %and3A_89, %add3A_90, %rem3A_82 : i32
      %mul3A_92 = arith.constant 16 : i32
      %mul3A_93 = arith.muli %select_n3A_91, %mul3A_92 : i32
      %swap3A = arith.index_cast %select_n3A : i32 to index
      %swap3A_94 = arith.index_cast %mul3A_93 : i32 to index
      %swap3A_95 = tpu.vector_load %arg6[%swap3A, %swap3A_94] {strides = array<i32>} : memref<200x128xi32, #tpu.memory_space<vmem>>, vector<16xi32>,
      tpu.vector_store %arg6[%swap3A, %swap3A_94], %broadcast_in_dim3A_61 {strides = array<i32>} : memref<200x128xi32, #tpu.memory_space<vmem>>, vector<16xi32>,
    }
    %scan3A_9 = arith.constant 1600 : i32
    %scan3A_10 = arith.constant 0 : i32
    %scan3A_11 = arith.constant 1600 : i32
    %scan3A_12 = arith.addi %scan3A_10, %scan3A_11 : i32
    %scan3A_13 = arith.constant 1 : i32
    scf.for %scan3A_60 = %scan3A_10 to %scan3A_12 step %scan3A_13  : i32 {
      %broadcast_in_dim3A = arith.constant 0 : i32
      %broadcast_in_dim3A_61 = vector.broadcast %broadcast_in_dim3A : i32 to vector<16xi32>
      %jit3A = arith.constant 8 : i32
      %div3A = arith.divsi %scan3A_60, %jit3A : i32
      %sign3A = arith.constant 0 : i32
      %sign3A_62 = arith.cmpi sgt, %scan3A_60, %sign3A : i32
      %sign3A_63 = arith.extui %sign3A_62 : i1 to i32
      %sign3A_64 = arith.constant 0 : i32
      %sign3A_65 = arith.cmpi slt, %scan3A_60, %sign3A_64 : i32
      %sign3A_66 = arith.extui %sign3A_65 : i1 to i32
      %sign3A_67 = arith.subi %sign3A_63, %sign3A_66 : i32
      %sign3A_68 = arith.constant 0 : i32
      %sign3A_69 = arith.cmpi sgt, %jit3A, %sign3A_68 : i32
      %sign3A_70 = arith.extui %sign3A_69 : i1 to i32
      %sign3A_71 = arith.constant 0 : i32
      %sign3A_72 = arith.cmpi slt, %jit3A, %sign3A_71 : i32
      %sign3A_73 = arith.extui %sign3A_72 : i1 to i32
      %sign3A_74 = arith.subi %sign3A_70, %sign3A_73 : i32
      %ne3A = arith.cmpi ne, %sign3A_67, %sign3A_74 : i32
      %rem3A = arith.remsi %scan3A_60, %jit3A : i32
      %ne3A_75 = arith.constant 0 : i32
      %ne3A_76 = arith.cmpi ne, %rem3A, %ne3A_75 : i32
      %and3A = arith.andi %ne3A, %ne3A_76 : i1
      %sub3A = arith.constant 1 : i32
      %sub3A_77 = arith.subi %div3A, %sub3A : i32
      %select_n3A = arith.select %and3A, %sub3A_77, %div3A : i32
      %jit3A_78 = arith.constant 8 : i32
      %eq3A = arith.constant 0 : i32
      %eq3A_79 = arith.cmpi eq, %jit3A_78, %eq3A : i32
      %jit3A_80 = arith.constant 1 : i32
      %select_n3A_81 = arith.select %eq3A_79, %jit3A_80, %jit3A_78 : i32
      %rem3A_82 = arith.remsi %scan3A_60, %select_n3A_81 : i32
      %ne3A_83 = arith.constant 0 : i32
      %ne3A_84 = arith.cmpi ne, %rem3A_82, %ne3A_83 : i32
      %lt3A = arith.constant 0 : i32
      %lt3A_85 = arith.cmpi slt, %rem3A_82, %lt3A : i32
      %lt3A_86 = arith.constant 0 : i32
      %lt3A_87 = arith.cmpi slt, %select_n3A_81, %lt3A_86 : i32
      %ne3A_88 = arith.xori %lt3A_85, %lt3A_87 : i1
      %and3A_89 = arith.andi %ne3A_88, %ne3A_84 : i1
      %add3A_90 = arith.addi %rem3A_82, %select_n3A_81 : i32
      %select_n3A_91 = arith.select %and3A_89, %add3A_90, %rem3A_82 : i32
      %mul3A_92 = arith.constant 16 : i32
      %mul3A_93 = arith.muli %select_n3A_91, %mul3A_92 : i32
      %swap3A = arith.index_cast %select_n3A : i32 to index
      %swap3A_94 = arith.index_cast %mul3A_93 : i32 to index
      %swap3A_95 = tpu.vector_load %arg7[%swap3A, %swap3A_94] {strides = array<i32>} : memref<200x128xi32, #tpu.memory_space<vmem>>, vector<16xi32>,
      tpu.vector_store %arg7[%swap3A, %swap3A_94], %broadcast_in_dim3A_61 {strides = array<i32>} : memref<200x128xi32, #tpu.memory_space<vmem>>, vector<16xi32>,
    }
    %scan3A_14 = arith.constant 1600 : i32
    %scan3A_15 = arith.constant 0 : i32
    %scan3A_16 = arith.constant 1640 : i32
    %scan3A_17 = arith.addi %scan3A_15, %scan3A_16 : i32
    %scan3A_18 = arith.constant 1 : i32
    scf.for %scan3A_60 = %scan3A_15 to %scan3A_17 step %scan3A_18  : i32 {
      %broadcast_in_dim3A = arith.constant 0 : i32
      %broadcast_in_dim3A_61 = vector.broadcast %broadcast_in_dim3A : i32 to vector<16xi32>
      %jit3A = arith.constant 8 : i32
      %div3A = arith.divsi %scan3A_60, %jit3A : i32
      %sign3A = arith.constant 0 : i32
      %sign3A_62 = arith.cmpi sgt, %scan3A_60, %sign3A : i32
      %sign3A_63 = arith.extui %sign3A_62 : i1 to i32
      %sign3A_64 = arith.constant 0 : i32
      %sign3A_65 = arith.cmpi slt, %scan3A_60, %sign3A_64 : i32
      %sign3A_66 = arith.extui %sign3A_65 : i1 to i32
      %sign3A_67 = arith.subi %sign3A_63, %sign3A_66 : i32
      %sign3A_68 = arith.constant 0 : i32
      %sign3A_69 = arith.cmpi sgt, %jit3A, %sign3A_68 : i32
      %sign3A_70 = arith.extui %sign3A_69 : i1 to i32
      %sign3A_71 = arith.constant 0 : i32
      %sign3A_72 = arith.cmpi slt, %jit3A, %sign3A_71 : i32
      %sign3A_73 = arith.extui %sign3A_72 : i1 to i32
      %sign3A_74 = arith.subi %sign3A_70, %sign3A_73 : i32
      %ne3A = arith.cmpi ne, %sign3A_67, %sign3A_74 : i32
      %rem3A = arith.remsi %scan3A_60, %jit3A : i32
      %ne3A_75 = arith.constant 0 : i32
      %ne3A_76 = arith.cmpi ne, %rem3A, %ne3A_75 : i32
      %and3A = arith.andi %ne3A, %ne3A_76 : i1
      %sub3A = arith.constant 1 : i32
      %sub3A_77 = arith.subi %div3A, %sub3A : i32
      %select_n3A = arith.select %and3A, %sub3A_77, %div3A : i32
      %jit3A_78 = arith.constant 8 : i32
      %eq3A = arith.constant 0 : i32
      %eq3A_79 = arith.cmpi eq, %jit3A_78, %eq3A : i32
      %jit3A_80 = arith.constant 1 : i32
      %select_n3A_81 = arith.select %eq3A_79, %jit3A_80, %jit3A_78 : i32
      %rem3A_82 = arith.remsi %scan3A_60, %select_n3A_81 : i32
      %ne3A_83 = arith.constant 0 : i32
      %ne3A_84 = arith.cmpi ne, %rem3A_82, %ne3A_83 : i32
      %lt3A = arith.constant 0 : i32
      %lt3A_85 = arith.cmpi slt, %rem3A_82, %lt3A : i32
      %lt3A_86 = arith.constant 0 : i32
      %lt3A_87 = arith.cmpi slt, %select_n3A_81, %lt3A_86 : i32
      %ne3A_88 = arith.xori %lt3A_85, %lt3A_87 : i1
      %and3A_89 = arith.andi %ne3A_88, %ne3A_84 : i1
      %add3A_90 = arith.addi %rem3A_82, %select_n3A_81 : i32
      %select_n3A_91 = arith.select %and3A_89, %add3A_90, %rem3A_82 : i32
      %mul3A_92 = arith.constant 16 : i32
      %mul3A_93 = arith.muli %select_n3A_91, %mul3A_92 : i32
      %swap3A = arith.index_cast %select_n3A : i32 to index
      %swap3A_94 = arith.index_cast %mul3A_93 : i32 to index
      %swap3A_95 = tpu.vector_load %arg8[%swap3A, %swap3A_94] {strides = array<i32>} : memref<205x128xi32, #tpu.memory_space<vmem>>, vector<16xi32>,
      tpu.vector_store %arg8[%swap3A, %swap3A_94], %broadcast_in_dim3A_61 {strides = array<i32>} : memref<205x128xi32, #tpu.memory_space<vmem>>, vector<16xi32>,
    }
    %scan3A_19 = arith.constant 1640 : i32
    "tpu.region"() ({
      %run_scoped3A = tpu.sem_alloc : memref<!tpu.dma_semaphore, #tpu.memory_space<semaphore_mem>>
      %dma_start3A = arith.constant 0 : i32
      %dma_start3A_60 = arith.constant 0 : i32
      %dma_start3A_61 = tpu.memref_slice %arg2[%dma_start3A, %add3A, %dma_start3A_60] : memref<50x32x128xi32, #tpu.memory_space<hbm>> -> memref<50x1x128xi32, #tpu.memory_space<hbm>>
      %dma_start3A_62 = tpu.memref_squeeze %dma_start3A_61 : memref<50x1x128xi32, #tpu.memory_space<hbm>> -> memref<50x128xi32, #tpu.memory_space<hbm>>
      %dma_start3A_63 = arith.constant 0 : i32
      %dma_start3A_64 = arith.constant 0 : i32
      %dma_start3A_65 = tpu.memref_slice %arg2[%dma_start3A_63, %add3A, %dma_start3A_64] : memref<50x32x128xi32, #tpu.memory_space<hbm>> -> memref<50x1x128xi32, #tpu.memory_space<hbm>>
      %dma_start3A_66 = tpu.memref_squeeze %dma_start3A_65 : memref<50x1x128xi32, #tpu.memory_space<hbm>> -> memref<50x128xi32, #tpu.memory_space<hbm>>
      tpu.enqueue_dma source(%dma_start3A_66 : memref<50x128xi32, #tpu.memory_space<hbm>>) target(%arg4 : memref<50x128xi32, #tpu.memory_space<vmem>>) target_semaphore(%run_scoped3A : memref<!tpu.dma_semaphore, #tpu.memory_space<semaphore_mem>>)
      %dma_wait3A_67 = arith.constant 0 : i32
      %dma_wait3A_68 = arith.constant 0 : i32
      %dma_wait3A_69 = tpu.memref_slice %arg2[%dma_wait3A_67, %add3A, %dma_wait3A_68] : memref<50x32x128xi32, #tpu.memory_space<hbm>> -> memref<50x1x128xi32, #tpu.memory_space<hbm>>
      %dma_wait3A_70 = tpu.memref_squeeze %dma_wait3A_69 : memref<50x1x128xi32, #tpu.memory_space<hbm>> -> memref<50x128xi32, #tpu.memory_space<hbm>>
      %dma_wait3A_71 = arith.constant 0 : i32
      %dma_wait3A_72 = arith.constant 0 : i32
      %dma_wait3A_73 = tpu.memref_slice %arg2[%dma_wait3A_71, %add3A, %dma_wait3A_72] : memref<50x32x128xi32, #tpu.memory_space<hbm>> -> memref<50x1x128xi32, #tpu.memory_space<hbm>>
      %dma_wait3A_74 = tpu.memref_squeeze %dma_wait3A_73 : memref<50x1x128xi32, #tpu.memory_space<hbm>> -> memref<50x128xi32, #tpu.memory_space<hbm>>
      tpu.wait_dma2 semaphore(%run_scoped3A : memref<!tpu.dma_semaphore, #tpu.memory_space<semaphore_mem>>) src(%dma_wait3A_74 : memref<50x128xi32, #tpu.memory_space<hbm>>) dst(%arg4 : memref<50x128xi32, #tpu.memory_space<vmem>>)
      tpu.yield
    }) : () -> ()
    %scan3A_20 = arith.constant 0 : i32
    %scan3A_21 = arith.constant 50 : i32
    %scan3A_22 = arith.addi %scan3A_20, %scan3A_21 : i32
    %scan3A_23 = arith.constant 1 : i32
    scf.for %scan3A_60 = %scan3A_20 to %scan3A_22 step %scan3A_23  : i32 {
      %mul3A_61 = arith.constant 128 : i32
      %mul3A_62 = arith.muli %mul3A_61, %add3A : i32
      %gt3A = arith.constant 0 : i32
      %gt3A_63 = arith.cmpi sgt, %scan3A_60, %gt3A : i32
      %convert_element_type3A = arith.extui %gt3A_63 : i1 to i32
      %cond3A = arith.constant 0 : i32
      %cond3A_64 = arith.cmpi ne, %convert_element_type3A, %cond3A : i32
      scf.if %cond3A_64 {
        %sub3A_654 = arith.constant 1 : i32
        %sub3A_655 = arith.subi %scan3A_60, %sub3A_654 : i32
        %mul3A_656 = arith.constant 128 : i32
        %mul3A_657 = arith.muli %mul3A_656, %add3A : i32
        %dma_wait3A_658 = arith.constant 0 : i32
        %dma_wait3A_659 = tpu.memref_slice %arg3[%sub3A_655, %dma_wait3A_658, %mul3A_657] : memref<50x805x4096xi32, #tpu.memory_space<hbm>> -> memref<1x200x128xi32, #tpu.memory_space<hbm>>
        %dma_wait3A_660 = tpu.memref_squeeze %dma_wait3A_659 : memref<1x200x128xi32, #tpu.memory_space<hbm>> -> memref<200x128xi32, #tpu.memory_space<hbm>>
        %dma_wait3A_661 = arith.constant 0 : i32
        %dma_wait3A_662 = tpu.memref_slice %arg3[%sub3A_655, %dma_wait3A_661, %mul3A_657] : memref<50x805x4096xi32, #tpu.memory_space<hbm>> -> memref<1x200x128xi32, #tpu.memory_space<hbm>>
        %dma_wait3A_663 = tpu.memref_squeeze %dma_wait3A_662 : memref<1x200x128xi32, #tpu.memory_space<hbm>> -> memref<200x128xi32, #tpu.memory_space<hbm>>
        tpu.wait_dma2 semaphore(%arg9 : memref<!tpu.dma_semaphore, #tpu.memory_space<semaphore_mem>>) src(%arg5 : memref<200x128xi32, #tpu.memory_space<vmem>>) dst(%dma_wait3A_663 : memref<200x128xi32, #tpu.memory_space<hbm>>)
        %sub3A_664 = arith.constant 1 : i32
        %sub3A_665 = arith.subi %scan3A_60, %sub3A_664 : i32
        %broadcast_in_dim3A_666 = arith.constant 0 : i32
        %broadcast_in_dim3A_667 = vector.broadcast %broadcast_in_dim3A_666 : i32 to vector<16xi32>
        %get3A_668 = arith.index_cast %sub3A_665 : i32 to index
        %get3A_669 = arith.constant 0 : index
        %get3A_670 = tpu.vector_load %arg4[%get3A_668, %get3A_669] {strides = array<i32>} : memref<50x128xi32, #tpu.memory_space<vmem>>, vector<16xi32>,
        %sub3A_671 = arith.constant 0 : i32
        %sub3A_672 = vector.broadcast %sub3A_671 : i32 to vector<16xi32>
        %sub3A_673 = arith.subi %get3A_670, %sub3A_672 : vector<16xi32>
        %iota3A_674 = tpu.iota {dimensions = array<i32: 0>} : vector<16xi32>
        %add3A_675 = arith.constant 0 : i32
        %add3A_676 = vector.broadcast %add3A_675 : i32 to vector<16xi32>
        %add3A_677 = arith.addi %iota3A_674, %add3A_676 : vector<16xi32>
        %ge3A_678 = arith.constant 0 : i32
        %ge3A_679 = vector.broadcast %ge3A_678 : i32 to vector<16xi32>
        %ge3A_680 = arith.cmpi sge, %get3A_670, %ge3A_679 : vector<16xi32>
        %lt3A_681 = arith.constant 200 : i32
        %lt3A_682 = vector.broadcast %lt3A_681 : i32 to vector<16xi32>
        %lt3A_683 = arith.cmpi slt, %get3A_670, %lt3A_682 : vector<16xi32>
        %and3A_684 = arith.andi %ge3A_680, %lt3A_683 : vector<16xi1>
        tpu.vector_store_idx %arg5[%sub3A_673, %add3A_677], %broadcast_in_dim3A_667 masked %and3A_684 : memref<200x128xi32, #tpu.memory_space<vmem>>[vector<16xi32>, vector<16xi32>], vector<16xi32>, vector<16xi1>
        %get3A_685 = arith.index_cast %sub3A_665 : i32 to index
        %get3A_686 = arith.constant 16 : index
        %get3A_687 = tpu.vector_load %arg4[%get3A_685, %get3A_686] {strides = array<i32>} : memref<50x128xi32, #tpu.memory_space<vmem>>, vector<16xi32>,
        %sub3A_688 = arith.constant 0 : i32
        %sub3A_689 = vector.broadcast %sub3A_688 : i32 to vector<16xi32>
        %sub3A_690 = arith.subi %get3A_687, %sub3A_689 : vector<16xi32>
        %iota3A_691 = tpu.iota {dimensions = array<i32: 0>} : vector<16xi32>
        %add3A_692 = arith.constant 16 : i32
        %add3A_693 = vector.broadcast %add3A_692 : i32 to vector<16xi32>
        %add3A_694 = arith.addi %iota3A_691, %add3A_693 : vector<16xi32>
        %ge3A_695 = arith.constant 0 : i32
        %ge3A_696 = vector.broadcast %ge3A_695 : i32 to vector<16xi32>
        %ge3A_697 = arith.cmpi sge, %get3A_687, %ge3A_696 : vector<16xi32>
        %lt3A_698 = arith.constant 200 : i32
        %lt3A_699 = vector.broadcast %lt3A_698 : i32 to vector<16xi32>
        %lt3A_700 = arith.cmpi slt, %get3A_687, %lt3A_699 : vector<16xi32>
        %and3A_701 = arith.andi %ge3A_697, %lt3A_700 : vector<16xi1>
        tpu.vector_store_idx %arg5[%sub3A_690, %add3A_694], %broadcast_in_dim3A_667 masked %and3A_701 : memref<200x128xi32, #tpu.memory_space<vmem>>[vector<16xi32>, vector<16xi32>], vector<16xi32>, vector<16xi1>
        %get3A_702 = arith.index_cast %sub3A_665 : i32 to index
        %get3A_703 = arith.constant 32 : index
        %get3A_704 = tpu.vector_load %arg4[%get3A_702, %get3A_703] {strides = array<i32>} : memref<50x128xi32, #tpu.memory_space<vmem>>, vector<16xi32>,
        %sub3A_705 = arith.constant 0 : i32
        %sub3A_706 = vector.broadcast %sub3A_705 : i32 to vector<16xi32>
        %sub3A_707 = arith.subi %get3A_704, %sub3A_706 : vector<16xi32>
        %iota3A_708 = tpu.iota {dimensions = array<i32: 0>} : vector<16xi32>
        %add3A_709 = arith.constant 32 : i32
        %add3A_710 = vector.broadcast %add3A_709 : i32 to vector<16xi32>
        %add3A_711 = arith.addi %iota3A_708, %add3A_710 : vector<16xi32>
        %ge3A_712 = arith.constant 0 : i32
        %ge3A_713 = vector.broadcast %ge3A_712 : i32 to vector<16xi32>
        %ge3A_714 = arith.cmpi sge, %get3A_704, %ge3A_713 : vector<16xi32>
        %lt3A_715 = arith.constant 200 : i32
        %lt3A_716 = vector.broadcast %lt3A_715 : i32 to vector<16xi32>
        %lt3A_717 = arith.cmpi slt, %get3A_704, %lt3A_716 : vector<16xi32>
        %and3A_718 = arith.andi %ge3A_714, %lt3A_717 : vector<16xi1>
        tpu.vector_store_idx %arg5[%sub3A_707, %add3A_711], %broadcast_in_dim3A_667 masked %and3A_718 : memref<200x128xi32, #tpu.memory_space<vmem>>[vector<16xi32>, vector<16xi32>], vector<16xi32>, vector<16xi1>
        %get3A_719 = arith.index_cast %sub3A_665 : i32 to index
        %get3A_720 = arith.constant 48 : index
        %get3A_721 = tpu.vector_load %arg4[%get3A_719, %get3A_720] {strides = array<i32>} : memref<50x128xi32, #tpu.memory_space<vmem>>, vector<16xi32>,
        %sub3A_722 = arith.constant 0 : i32
        %sub3A_723 = vector.broadcast %sub3A_722 : i32 to vector<16xi32>
        %sub3A_724 = arith.subi %get3A_721, %sub3A_723 : vector<16xi32>
        %iota3A_725 = tpu.iota {dimensions = array<i32: 0>} : vector<16xi32>
        %add3A_726 = arith.constant 48 : i32
        %add3A_727 = vector.broadcast %add3A_726 : i32 to vector<16xi32>
        %add3A_728 = arith.addi %iota3A_725, %add3A_727 : vector<16xi32>
        %ge3A_729 = arith.constant 0 : i32
        %ge3A_730 = vector.broadcast %ge3A_729 : i32 to vector<16xi32>
        %ge3A_731 = arith.cmpi sge, %get3A_721, %ge3A_730 : vector<16xi32>
        %lt3A_732 = arith.constant 200 : i32
        %lt3A_733 = vector.broadcast %lt3A_732 : i32 to vector<16xi32>
        %lt3A_734 = arith.cmpi slt, %get3A_721, %lt3A_733 : vector<16xi32>
        %and3A_735 = arith.andi %ge3A_731, %lt3A_734 : vector<16xi1>
        tpu.vector_store_idx %arg5[%sub3A_724, %add3A_728], %broadcast_in_dim3A_667 masked %and3A_735 : memref<200x128xi32, #tpu.memory_space<vmem>>[vector<16xi32>, vector<16xi32>], vector<16xi32>, vector<16xi1>
        %get3A_736 = arith.index_cast %sub3A_665 : i32 to index
        %get3A_737 = arith.constant 64 : index
        %get3A_738 = tpu.vector_load %arg4[%get3A_736, %get3A_737] {strides = array<i32>} : memref<50x128xi32, #tpu.memory_space<vmem>>, vector<16xi32>,
        %sub3A_739 = arith.constant 0 : i32
        %sub3A_740 = vector.broadcast %sub3A_739 : i32 to vector<16xi32>
        %sub3A_741 = arith.subi %get3A_738, %sub3A_740 : vector<16xi32>
        %iota3A_742 = tpu.iota {dimensions = array<i32: 0>} : vector<16xi32>
        %add3A_743 = arith.constant 64 : i32
        %add3A_744 = vector.broadcast %add3A_743 : i32 to vector<16xi32>
        %add3A_745 = arith.addi %iota3A_742, %add3A_744 : vector<16xi32>
        %ge3A_746 = arith.constant 0 : i32
        %ge3A_747 = vector.broadcast %ge3A_746 : i32 to vector<16xi32>
        %ge3A_748 = arith.cmpi sge, %get3A_738, %ge3A_747 : vector<16xi32>
        %lt3A_749 = arith.constant 200 : i32
        %lt3A_750 = vector.broadcast %lt3A_749 : i32 to vector<16xi32>
        %lt3A_751 = arith.cmpi slt, %get3A_738, %lt3A_750 : vector<16xi32>
        %and3A_752 = arith.andi %ge3A_748, %lt3A_751 : vector<16xi1>
        tpu.vector_store_idx %arg5[%sub3A_741, %add3A_745], %broadcast_in_dim3A_667 masked %and3A_752 : memref<200x128xi32, #tpu.memory_space<vmem>>[vector<16xi32>, vector<16xi32>], vector<16xi32>, vector<16xi1>
        %get3A_753 = arith.index_cast %sub3A_665 : i32 to index
        %get3A_754 = arith.constant 80 : index
        %get3A_755 = tpu.vector_load %arg4[%get3A_753, %get3A_754] {strides = array<i32>} : memref<50x128xi32, #tpu.memory_space<vmem>>, vector<16xi32>,
        %sub3A_756 = arith.constant 0 : i32
        %sub3A_757 = vector.broadcast %sub3A_756 : i32 to vector<16xi32>
        %sub3A_758 = arith.subi %get3A_755, %sub3A_757 : vector<16xi32>
        %iota3A_759 = tpu.iota {dimensions = array<i32: 0>} : vector<16xi32>
        %add3A_760 = arith.constant 80 : i32
        %add3A_761 = vector.broadcast %add3A_760 : i32 to vector<16xi32>
        %add3A_762 = arith.addi %iota3A_759, %add3A_761 : vector<16xi32>
        %ge3A_763 = arith.constant 0 : i32
        %ge3A_764 = vector.broadcast %ge3A_763 : i32 to vector<16xi32>
        %ge3A_765 = arith.cmpi sge, %get3A_755, %ge3A_764 : vector<16xi32>
        %lt3A_766 = arith.constant 200 : i32
        %lt3A_767 = vector.broadcast %lt3A_766 : i32 to vector<16xi32>
        %lt3A_768 = arith.cmpi slt, %get3A_755, %lt3A_767 : vector<16xi32>
        %and3A_769 = arith.andi %ge3A_765, %lt3A_768 : vector<16xi1>
        tpu.vector_store_idx %arg5[%sub3A_758, %add3A_762], %broadcast_in_dim3A_667 masked %and3A_769 : memref<200x128xi32, #tpu.memory_space<vmem>>[vector<16xi32>, vector<16xi32>], vector<16xi32>, vector<16xi1>
        %get3A_770 = arith.index_cast %sub3A_665 : i32 to index
        %get3A_771 = arith.constant 96 : index
        %get3A_772 = tpu.vector_load %arg4[%get3A_770, %get3A_771] {strides = array<i32>} : memref<50x128xi32, #tpu.memory_space<vmem>>, vector<16xi32>,
        %sub3A_773 = arith.constant 0 : i32
        %sub3A_774 = vector.broadcast %sub3A_773 : i32 to vector<16xi32>
        %sub3A_775 = arith.subi %get3A_772, %sub3A_774 : vector<16xi32>
        %iota3A_776 = tpu.iota {dimensions = array<i32: 0>} : vector<16xi32>
        %add3A_777 = arith.constant 96 : i32
        %add3A_778 = vector.broadcast %add3A_777 : i32 to vector<16xi32>
        %add3A_779 = arith.addi %iota3A_776, %add3A_778 : vector<16xi32>
        %ge3A_780 = arith.constant 0 : i32
        %ge3A_781 = vector.broadcast %ge3A_780 : i32 to vector<16xi32>
        %ge3A_782 = arith.cmpi sge, %get3A_772, %ge3A_781 : vector<16xi32>
        %lt3A_783 = arith.constant 200 : i32
        %lt3A_784 = vector.broadcast %lt3A_783 : i32 to vector<16xi32>
        %lt3A_785 = arith.cmpi slt, %get3A_772, %lt3A_784 : vector<16xi32>
        %and3A_786 = arith.andi %ge3A_782, %lt3A_785 : vector<16xi1>
        tpu.vector_store_idx %arg5[%sub3A_775, %add3A_779], %broadcast_in_dim3A_667 masked %and3A_786 : memref<200x128xi32, #tpu.memory_space<vmem>>[vector<16xi32>, vector<16xi32>], vector<16xi32>, vector<16xi1>
        %get3A_787 = arith.index_cast %sub3A_665 : i32 to index
        %get3A_788 = arith.constant 112 : index
        %get3A_789 = tpu.vector_load %arg4[%get3A_787, %get3A_788] {strides = array<i32>} : memref<50x128xi32, #tpu.memory_space<vmem>>, vector<16xi32>,
        %sub3A_790 = arith.constant 0 : i32
        %sub3A_791 = vector.broadcast %sub3A_790 : i32 to vector<16xi32>
        %sub3A_792 = arith.subi %get3A_789, %sub3A_791 : vector<16xi32>
        %iota3A_793 = tpu.iota {dimensions = array<i32: 0>} : vector<16xi32>
        %add3A_794 = arith.constant 112 : i32
        %add3A_795 = vector.broadcast %add3A_794 : i32 to vector<16xi32>
        %add3A_796 = arith.addi %iota3A_793, %add3A_795 : vector<16xi32>
        %ge3A_797 = arith.constant 0 : i32
        %ge3A_798 = vector.broadcast %ge3A_797 : i32 to vector<16xi32>
        %ge3A_799 = arith.cmpi sge, %get3A_789, %ge3A_798 : vector<16xi32>
        %lt3A_800 = arith.constant 200 : i32
        %lt3A_801 = vector.broadcast %lt3A_800 : i32 to vector<16xi32>
        %lt3A_802 = arith.cmpi slt, %get3A_789, %lt3A_801 : vector<16xi32>
        %and3A_803 = arith.andi %ge3A_799, %lt3A_802 : vector<16xi1>
        tpu.vector_store_idx %arg5[%sub3A_792, %add3A_796], %broadcast_in_dim3A_667 masked %and3A_803 : memref<200x128xi32, #tpu.memory_space<vmem>>[vector<16xi32>, vector<16xi32>], vector<16xi32>, vector<16xi1>
      } else {
      }
      %broadcast_in_dim3A = arith.constant 1 : i32
      %broadcast_in_dim3A_65 = vector.broadcast %broadcast_in_dim3A : i32 to vector<16xi32>
      %get3A = arith.index_cast %scan3A_60 : i32 to index
      %get3A_66 = arith.constant 0 : index
      %get3A_67 = tpu.vector_load %arg4[%get3A, %get3A_66] {strides = array<i32>} : memref<50x128xi32, #tpu.memory_space<vmem>>, vector<16xi32>,
      %sub3A = arith.constant 0 : i32
      %sub3A_68 = vector.broadcast %sub3A : i32 to vector<16xi32>
      %sub3A_69 = arith.subi %get3A_67, %sub3A_68 : vector<16xi32>
      %iota3A = tpu.iota {dimensions = array<i32: 0>} : vector<16xi32>
      %add3A_70 = arith.constant 0 : i32
      %add3A_71 = vector.broadcast %add3A_70 : i32 to vector<16xi32>
      %add3A_72 = arith.addi %iota3A, %add3A_71 : vector<16xi32>
      %ge3A = arith.constant 0 : i32
      %ge3A_73 = vector.broadcast %ge3A : i32 to vector<16xi32>
      %ge3A_74 = arith.cmpi sge, %get3A_67, %ge3A_73 : vector<16xi32>
      %lt3A = arith.constant 200 : i32
      %lt3A_75 = vector.broadcast %lt3A : i32 to vector<16xi32>
      %lt3A_76 = arith.cmpi slt, %get3A_67, %lt3A_75 : vector<16xi32>
      %and3A = arith.andi %ge3A_74, %lt3A_76 : vector<16xi1>
      tpu.vector_store_idx %arg5[%sub3A_69, %add3A_72], %broadcast_in_dim3A_65 masked %and3A : memref<200x128xi32, #tpu.memory_space<vmem>>[vector<16xi32>, vector<16xi32>], vector<16xi32>, vector<16xi1>
      %get3A_77 = arith.index_cast %scan3A_60 : i32 to index
      %get3A_78 = arith.constant 16 : index
      %get3A_79 = tpu.vector_load %arg4[%get3A_77, %get3A_78] {strides = array<i32>} : memref<50x128xi32, #tpu.memory_space<vmem>>, vector<16xi32>,
      %sub3A_80 = arith.constant 0 : i32
      %sub3A_81 = vector.broadcast %sub3A_80 : i32 to vector<16xi32>
      %sub3A_82 = arith.subi %get3A_79, %sub3A_81 : vector<16xi32>
      %iota3A_83 = tpu.iota {dimensions = array<i32: 0>} : vector<16xi32>
      %add3A_84 = arith.constant 16 : i32
      %add3A_85 = vector.broadcast %add3A_84 : i32 to vector<16xi32>
      %add3A_86 = arith.addi %iota3A_83, %add3A_85 : vector<16xi32>
      %ge3A_87 = arith.constant 0 : i32
      %ge3A_88 = vector.broadcast %ge3A_87 : i32 to vector<16xi32>
      %ge3A_89 = arith.cmpi sge, %get3A_79, %ge3A_88 : vector<16xi32>
      %lt3A_90 = arith.constant 200 : i32
      %lt3A_91 = vector.broadcast %lt3A_90 : i32 to vector<16xi32>
      %lt3A_92 = arith.cmpi slt, %get3A_79, %lt3A_91 : vector<16xi32>
      %and3A_93 = arith.andi %ge3A_89, %lt3A_92 : vector<16xi1>
      tpu.vector_store_idx %arg5[%sub3A_82, %add3A_86], %broadcast_in_dim3A_65 masked %and3A_93 : memref<200x128xi32, #tpu.memory_space<vmem>>[vector<16xi32>, vector<16xi32>], vector<16xi32>, vector<16xi1>
      %get3A_94 = arith.index_cast %scan3A_60 : i32 to index
      %get3A_95 = arith.constant 32 : index
      %get3A_96 = tpu.vector_load %arg4[%get3A_94, %get3A_95] {strides = array<i32>} : memref<50x128xi32, #tpu.memory_space<vmem>>, vector<16xi32>,
      %sub3A_97 = arith.constant 0 : i32
      %sub3A_98 = vector.broadcast %sub3A_97 : i32 to vector<16xi32>
      %sub3A_99 = arith.subi %get3A_96, %sub3A_98 : vector<16xi32>
      %iota3A_100 = tpu.iota {dimensions = array<i32: 0>} : vector<16xi32>
      %add3A_101 = arith.constant 32 : i32
      %add3A_102 = vector.broadcast %add3A_101 : i32 to vector<16xi32>
      %add3A_103 = arith.addi %iota3A_100, %add3A_102 : vector<16xi32>
      %ge3A_104 = arith.constant 0 : i32
      %ge3A_105 = vector.broadcast %ge3A_104 : i32 to vector<16xi32>
      %ge3A_106 = arith.cmpi sge, %get3A_96, %ge3A_105 : vector<16xi32>
      %lt3A_107 = arith.constant 200 : i32
      %lt3A_108 = vector.broadcast %lt3A_107 : i32 to vector<16xi32>
      %lt3A_109 = arith.cmpi slt, %get3A_96, %lt3A_108 : vector<16xi32>
      %and3A_110 = arith.andi %ge3A_106, %lt3A_109 : vector<16xi1>
      tpu.vector_store_idx %arg5[%sub3A_99, %add3A_103], %broadcast_in_dim3A_65 masked %and3A_110 : memref<200x128xi32, #tpu.memory_space<vmem>>[vector<16xi32>, vector<16xi32>], vector<16xi32>, vector<16xi1>
      %get3A_111 = arith.index_cast %scan3A_60 : i32 to index
      %get3A_112 = arith.constant 48 : index
      %get3A_113 = tpu.vector_load %arg4[%get3A_111, %get3A_112] {strides = array<i32>} : memref<50x128xi32, #tpu.memory_space<vmem>>, vector<16xi32>,
      %sub3A_114 = arith.constant 0 : i32
      %sub3A_115 = vector.broadcast %sub3A_114 : i32 to vector<16xi32>
      %sub3A_116 = arith.subi %get3A_113, %sub3A_115 : vector<16xi32>
      %iota3A_117 = tpu.iota {dimensions = array<i32: 0>} : vector<16xi32>
      %add3A_118 = arith.constant 48 : i32
      %add3A_119 = vector.broadcast %add3A_118 : i32 to vector<16xi32>
      %add3A_120 = arith.addi %iota3A_117, %add3A_119 : vector<16xi32>
      %ge3A_121 = arith.constant 0 : i32
      %ge3A_122 = vector.broadcast %ge3A_121 : i32 to vector<16xi32>
      %ge3A_123 = arith.cmpi sge, %get3A_113, %ge3A_122 : vector<16xi32>
      %lt3A_124 = arith.constant 200 : i32
      %lt3A_125 = vector.broadcast %lt3A_124 : i32 to vector<16xi32>
      %lt3A_126 = arith.cmpi slt, %get3A_113, %lt3A_125 : vector<16xi32>
      %and3A_127 = arith.andi %ge3A_123, %lt3A_126 : vector<16xi1>
      tpu.vector_store_idx %arg5[%sub3A_116, %add3A_120], %broadcast_in_dim3A_65 masked %and3A_127 : memref<200x128xi32, #tpu.memory_space<vmem>>[vector<16xi32>, vector<16xi32>], vector<16xi32>, vector<16xi1>
      %get3A_128 = arith.index_cast %scan3A_60 : i32 to index
      %get3A_129 = arith.constant 64 : index
      %get3A_130 = tpu.vector_load %arg4[%get3A_128, %get3A_129] {strides = array<i32>} : memref<50x128xi32, #tpu.memory_space<vmem>>, vector<16xi32>,
      %sub3A_131 = arith.constant 0 : i32
      %sub3A_132 = vector.broadcast %sub3A_131 : i32 to vector<16xi32>
      %sub3A_133 = arith.subi %get3A_130, %sub3A_132 : vector<16xi32>
      %iota3A_134 = tpu.iota {dimensions = array<i32: 0>} : vector<16xi32>
      %add3A_135 = arith.constant 64 : i32
      %add3A_136 = vector.broadcast %add3A_135 : i32 to vector<16xi32>
      %add3A_137 = arith.addi %iota3A_134, %add3A_136 : vector<16xi32>
      %ge3A_138 = arith.constant 0 : i32
      %ge3A_139 = vector.broadcast %ge3A_138 : i32 to vector<16xi32>
      %ge3A_140 = arith.cmpi sge, %get3A_130, %ge3A_139 : vector<16xi32>
      %lt3A_141 = arith.constant 200 : i32
      %lt3A_142 = vector.broadcast %lt3A_141 : i32 to vector<16xi32>
      %lt3A_143 = arith.cmpi slt, %get3A_130, %lt3A_142 : vector<16xi32>
      %and3A_144 = arith.andi %ge3A_140, %lt3A_143 : vector<16xi1>
      tpu.vector_store_idx %arg5[%sub3A_133, %add3A_137], %broadcast_in_dim3A_65 masked %and3A_144 : memref<200x128xi32, #tpu.memory_space<vmem>>[vector<16xi32>, vector<16xi32>], vector<16xi32>, vector<16xi1>
      %get3A_145 = arith.index_cast %scan3A_60 : i32 to index
      %get3A_146 = arith.constant 80 : index
      %get3A_147 = tpu.vector_load %arg4[%get3A_145, %get3A_146] {strides = array<i32>} : memref<50x128xi32, #tpu.memory_space<vmem>>, vector<16xi32>,
      %sub3A_148 = arith.constant 0 : i32
      %sub3A_149 = vector.broadcast %sub3A_148 : i32 to vector<16xi32>
      %sub3A_150 = arith.subi %get3A_147, %sub3A_149 : vector<16xi32>
      %iota3A_151 = tpu.iota {dimensions = array<i32: 0>} : vector<16xi32>
      %add3A_152 = arith.constant 80 : i32
      %add3A_153 = vector.broadcast %add3A_152 : i32 to vector<16xi32>
      %add3A_154 = arith.addi %iota3A_151, %add3A_153 : vector<16xi32>
      %ge3A_155 = arith.constant 0 : i32
      %ge3A_156 = vector.broadcast %ge3A_155 : i32 to vector<16xi32>
      %ge3A_157 = arith.cmpi sge, %get3A_147, %ge3A_156 : vector<16xi32>
      %lt3A_158 = arith.constant 200 : i32
      %lt3A_159 = vector.broadcast %lt3A_158 : i32 to vector<16xi32>
      %lt3A_160 = arith.cmpi slt, %get3A_147, %lt3A_159 : vector<16xi32>
      %and3A_161 = arith.andi %ge3A_157, %lt3A_160 : vector<16xi1>
      tpu.vector_store_idx %arg5[%sub3A_150, %add3A_154], %broadcast_in_dim3A_65 masked %and3A_161 : memref<200x128xi32, #tpu.memory_space<vmem>>[vector<16xi32>, vector<16xi32>], vector<16xi32>, vector<16xi1>
      %get3A_162 = arith.index_cast %scan3A_60 : i32 to index
      %get3A_163 = arith.constant 96 : index
      %get3A_164 = tpu.vector_load %arg4[%get3A_162, %get3A_163] {strides = array<i32>} : memref<50x128xi32, #tpu.memory_space<vmem>>, vector<16xi32>,
      %sub3A_165 = arith.constant 0 : i32
      %sub3A_166 = vector.broadcast %sub3A_165 : i32 to vector<16xi32>
      %sub3A_167 = arith.subi %get3A_164, %sub3A_166 : vector<16xi32>
      %iota3A_168 = tpu.iota {dimensions = array<i32: 0>} : vector<16xi32>
      %add3A_169 = arith.constant 96 : i32
      %add3A_170 = vector.broadcast %add3A_169 : i32 to vector<16xi32>
      %add3A_171 = arith.addi %iota3A_168, %add3A_170 : vector<16xi32>
      %ge3A_172 = arith.constant 0 : i32
      %ge3A_173 = vector.broadcast %ge3A_172 : i32 to vector<16xi32>
      %ge3A_174 = arith.cmpi sge, %get3A_164, %ge3A_173 : vector<16xi32>
      %lt3A_175 = arith.constant 200 : i32
      %lt3A_176 = vector.broadcast %lt3A_175 : i32 to vector<16xi32>
      %lt3A_177 = arith.cmpi slt, %get3A_164, %lt3A_176 : vector<16xi32>
      %and3A_178 = arith.andi %ge3A_174, %lt3A_177 : vector<16xi1>
      tpu.vector_store_idx %arg5[%sub3A_167, %add3A_171], %broadcast_in_dim3A_65 masked %and3A_178 : memref<200x128xi32, #tpu.memory_space<vmem>>[vector<16xi32>, vector<16xi32>], vector<16xi32>, vector<16xi1>
      %get3A_179 = arith.index_cast %scan3A_60 : i32 to index
      %get3A_180 = arith.constant 112 : index
      %get3A_181 = tpu.vector_load %arg4[%get3A_179, %get3A_180] {strides = array<i32>} : memref<50x128xi32, #tpu.memory_space<vmem>>, vector<16xi32>,
      %sub3A_182 = arith.constant 0 : i32
      %sub3A_183 = vector.broadcast %sub3A_182 : i32 to vector<16xi32>
      %sub3A_184 = arith.subi %get3A_181, %sub3A_183 : vector<16xi32>
      %iota3A_185 = tpu.iota {dimensions = array<i32: 0>} : vector<16xi32>
      %add3A_186 = arith.constant 112 : i32
      %add3A_187 = vector.broadcast %add3A_186 : i32 to vector<16xi32>
      %add3A_188 = arith.addi %iota3A_185, %add3A_187 : vector<16xi32>
      %ge3A_189 = arith.constant 0 : i32
      %ge3A_190 = vector.broadcast %ge3A_189 : i32 to vector<16xi32>
      %ge3A_191 = arith.cmpi sge, %get3A_181, %ge3A_190 : vector<16xi32>
      %lt3A_192 = arith.constant 200 : i32
      %lt3A_193 = vector.broadcast %lt3A_192 : i32 to vector<16xi32>
      %lt3A_194 = arith.cmpi slt, %get3A_181, %lt3A_193 : vector<16xi32>
      %and3A_195 = arith.andi %ge3A_191, %lt3A_194 : vector<16xi1>
      tpu.vector_store_idx %arg5[%sub3A_184, %add3A_188], %broadcast_in_dim3A_65 masked %and3A_195 : memref<200x128xi32, #tpu.memory_space<vmem>>[vector<16xi32>, vector<16xi32>], vector<16xi32>, vector<16xi1>
      %dma_start3A = arith.constant 0 : i32
      %dma_start3A_196 = tpu.memref_slice %arg3[%scan3A_60, %dma_start3A, %mul3A_62] : memref<50x805x4096xi32, #tpu.memory_space<hbm>> -> memref<1x200x128xi32, #tpu.memory_space<hbm>>
      %dma_start3A_197 = tpu.memref_squeeze %dma_start3A_196 : memref<1x200x128xi32, #tpu.memory_space<hbm>> -> memref<200x128xi32, #tpu.memory_space<hbm>>
      %dma_start3A_198 = arith.constant 0 : i32
      %dma_start3A_199 = tpu.memref_slice %arg3[%scan3A_60, %dma_start3A_198, %mul3A_62] : memref<50x805x4096xi32, #tpu.memory_space<hbm>> -> memref<1x200x128xi32, #tpu.memory_space<hbm>>
      %dma_start3A_200 = tpu.memref_squeeze %dma_start3A_199 : memref<1x200x128xi32, #tpu.memory_space<hbm>> -> memref<200x128xi32, #tpu.memory_space<hbm>>
      tpu.enqueue_dma source(%arg5 : memref<200x128xi32, #tpu.memory_space<vmem>>) target(%dma_start3A_200 : memref<200x128xi32, #tpu.memory_space<hbm>>) target_semaphore(%arg9 : memref<!tpu.dma_semaphore, #tpu.memory_space<semaphore_mem>>)
      %mul3A_201 = arith.constant 128 : i32
      %mul3A_202 = arith.muli %mul3A_201, %add3A : i32
      %gt3A_203 = arith.constant 0 : i32
      %gt3A_204 = arith.cmpi sgt, %scan3A_60, %gt3A_203 : i32
      %convert_element_type3A_205 = arith.extui %gt3A_204 : i1 to i32
      %cond3A_206 = arith.constant 0 : i32
      %cond3A_207 = arith.cmpi ne, %convert_element_type3A_205, %cond3A_206 : i32
      scf.if %cond3A_207 {
        %sub3A_654 = arith.constant 1 : i32
        %sub3A_655 = arith.subi %scan3A_60, %sub3A_654 : i32
        %mul3A_656 = arith.constant 128 : i32
        %mul3A_657 = arith.muli %mul3A_656, %add3A : i32
        %dma_wait3A_658 = arith.constant 200 : i32
        %dma_wait3A_659 = tpu.memref_slice %arg3[%sub3A_655, %dma_wait3A_658, %mul3A_657] : memref<50x805x4096xi32, #tpu.memory_space<hbm>> -> memref<1x200x128xi32, #tpu.memory_space<hbm>>
        %dma_wait3A_660 = tpu.memref_squeeze %dma_wait3A_659 : memref<1x200x128xi32, #tpu.memory_space<hbm>> -> memref<200x128xi32, #tpu.memory_space<hbm>>
        %dma_wait3A_661 = arith.constant 200 : i32
        %dma_wait3A_662 = tpu.memref_slice %arg3[%sub3A_655, %dma_wait3A_661, %mul3A_657] : memref<50x805x4096xi32, #tpu.memory_space<hbm>> -> memref<1x200x128xi32, #tpu.memory_space<hbm>>
        %dma_wait3A_663 = tpu.memref_squeeze %dma_wait3A_662 : memref<1x200x128xi32, #tpu.memory_space<hbm>> -> memref<200x128xi32, #tpu.memory_space<hbm>>
        tpu.wait_dma2 semaphore(%arg10 : memref<!tpu.dma_semaphore, #tpu.memory_space<semaphore_mem>>) src(%arg6 : memref<200x128xi32, #tpu.memory_space<vmem>>) dst(%dma_wait3A_663 : memref<200x128xi32, #tpu.memory_space<hbm>>)
        %sub3A_664 = arith.constant 1 : i32
        %sub3A_665 = arith.subi %scan3A_60, %sub3A_664 : i32
        %broadcast_in_dim3A_666 = arith.constant 0 : i32
        %broadcast_in_dim3A_667 = vector.broadcast %broadcast_in_dim3A_666 : i32 to vector<16xi32>
        %get3A_668 = arith.index_cast %sub3A_665 : i32 to index
        %get3A_669 = arith.constant 0 : index
        %get3A_670 = tpu.vector_load %arg4[%get3A_668, %get3A_669] {strides = array<i32>} : memref<50x128xi32, #tpu.memory_space<vmem>>, vector<16xi32>,
        %sub3A_671 = arith.constant 200 : i32
        %sub3A_672 = vector.broadcast %sub3A_671 : i32 to vector<16xi32>
        %sub3A_673 = arith.subi %get3A_670, %sub3A_672 : vector<16xi32>
        %iota3A_674 = tpu.iota {dimensions = array<i32: 0>} : vector<16xi32>
        %add3A_675 = arith.constant 0 : i32
        %add3A_676 = vector.broadcast %add3A_675 : i32 to vector<16xi32>
        %add3A_677 = arith.addi %iota3A_674, %add3A_676 : vector<16xi32>
        %ge3A_678 = arith.constant 200 : i32
        %ge3A_679 = vector.broadcast %ge3A_678 : i32 to vector<16xi32>
        %ge3A_680 = arith.cmpi sge, %get3A_670, %ge3A_679 : vector<16xi32>
        %lt3A_681 = arith.constant 400 : i32
        %lt3A_682 = vector.broadcast %lt3A_681 : i32 to vector<16xi32>
        %lt3A_683 = arith.cmpi slt, %get3A_670, %lt3A_682 : vector<16xi32>
        %and3A_684 = arith.andi %ge3A_680, %lt3A_683 : vector<16xi1>
        tpu.vector_store_idx %arg6[%sub3A_673, %add3A_677], %broadcast_in_dim3A_667 masked %and3A_684 : memref<200x128xi32, #tpu.memory_space<vmem>>[vector<16xi32>, vector<16xi32>], vector<16xi32>, vector<16xi1>
        %get3A_685 = arith.index_cast %sub3A_665 : i32 to index
        %get3A_686 = arith.constant 16 : index
        %get3A_687 = tpu.vector_load %arg4[%get3A_685, %get3A_686] {strides = array<i32>} : memref<50x128xi32, #tpu.memory_space<vmem>>, vector<16xi32>,
        %sub3A_688 = arith.constant 200 : i32
        %sub3A_689 = vector.broadcast %sub3A_688 : i32 to vector<16xi32>
        %sub3A_690 = arith.subi %get3A_687, %sub3A_689 : vector<16xi32>
        %iota3A_691 = tpu.iota {dimensions = array<i32: 0>} : vector<16xi32>
        %add3A_692 = arith.constant 16 : i32
        %add3A_693 = vector.broadcast %add3A_692 : i32 to vector<16xi32>
        %add3A_694 = arith.addi %iota3A_691, %add3A_693 : vector<16xi32>
        %ge3A_695 = arith.constant 200 : i32
        %ge3A_696 = vector.broadcast %ge3A_695 : i32 to vector<16xi32>
        %ge3A_697 = arith.cmpi sge, %get3A_687, %ge3A_696 : vector<16xi32>
        %lt3A_698 = arith.constant 400 : i32
        %lt3A_699 = vector.broadcast %lt3A_698 : i32 to vector<16xi32>
        %lt3A_700 = arith.cmpi slt, %get3A_687, %lt3A_699 : vector<16xi32>
        %and3A_701 = arith.andi %ge3A_697, %lt3A_700 : vector<16xi1>
        tpu.vector_store_idx %arg6[%sub3A_690, %add3A_694], %broadcast_in_dim3A_667 masked %and3A_701 : memref<200x128xi32, #tpu.memory_space<vmem>>[vector<16xi32>, vector<16xi32>], vector<16xi32>, vector<16xi1>
        %get3A_702 = arith.index_cast %sub3A_665 : i32 to index
        %get3A_703 = arith.constant 32 : index
        %get3A_704 = tpu.vector_load %arg4[%get3A_702, %get3A_703] {strides = array<i32>} : memref<50x128xi32, #tpu.memory_space<vmem>>, vector<16xi32>,
        %sub3A_705 = arith.constant 200 : i32
        %sub3A_706 = vector.broadcast %sub3A_705 : i32 to vector<16xi32>
        %sub3A_707 = arith.subi %get3A_704, %sub3A_706 : vector<16xi32>
        %iota3A_708 = tpu.iota {dimensions = array<i32: 0>} : vector<16xi32>
        %add3A_709 = arith.constant 32 : i32
        %add3A_710 = vector.broadcast %add3A_709 : i32 to vector<16xi32>
        %add3A_711 = arith.addi %iota3A_708, %add3A_710 : vector<16xi32>
        %ge3A_712 = arith.constant 200 : i32
        %ge3A_713 = vector.broadcast %ge3A_712 : i32 to vector<16xi32>
        %ge3A_714 = arith.cmpi sge, %get3A_704, %ge3A_713 : vector<16xi32>
        %lt3A_715 = arith.constant 400 : i32
        %lt3A_716 = vector.broadcast %lt3A_715 : i32 to vector<16xi32>
        %lt3A_717 = arith.cmpi slt, %get3A_704, %lt3A_716 : vector<16xi32>
        %and3A_718 = arith.andi %ge3A_714, %lt3A_717 : vector<16xi1>
        tpu.vector_store_idx %arg6[%sub3A_707, %add3A_711], %broadcast_in_dim3A_667 masked %and3A_718 : memref<200x128xi32, #tpu.memory_space<vmem>>[vector<16xi32>, vector<16xi32>], vector<16xi32>, vector<16xi1>
        %get3A_719 = arith.index_cast %sub3A_665 : i32 to index
        %get3A_720 = arith.constant 48 : index
        %get3A_721 = tpu.vector_load %arg4[%get3A_719, %get3A_720] {strides = array<i32>} : memref<50x128xi32, #tpu.memory_space<vmem>>, vector<16xi32>,
        %sub3A_722 = arith.constant 200 : i32
        %sub3A_723 = vector.broadcast %sub3A_722 : i32 to vector<16xi32>
        %sub3A_724 = arith.subi %get3A_721, %sub3A_723 : vector<16xi32>
        %iota3A_725 = tpu.iota {dimensions = array<i32: 0>} : vector<16xi32>
        %add3A_726 = arith.constant 48 : i32
        %add3A_727 = vector.broadcast %add3A_726 : i32 to vector<16xi32>
        %add3A_728 = arith.addi %iota3A_725, %add3A_727 : vector<16xi32>
        %ge3A_729 = arith.constant 200 : i32
        %ge3A_730 = vector.broadcast %ge3A_729 : i32 to vector<16xi32>
        %ge3A_731 = arith.cmpi sge, %get3A_721, %ge3A_730 : vector<16xi32>
        %lt3A_732 = arith.constant 400 : i32
        %lt3A_733 = vector.broadcast %lt3A_732 : i32 to vector<16xi32>
        %lt3A_734 = arith.cmpi slt, %get3A_721, %lt3A_733 : vector<16xi32>
        %and3A_735 = arith.andi %ge3A_731, %lt3A_734 : vector<16xi1>
        tpu.vector_store_idx %arg6[%sub3A_724, %add3A_728], %broadcast_in_dim3A_667 masked %and3A_735 : memref<200x128xi32, #tpu.memory_space<vmem>>[vector<16xi32>, vector<16xi32>], vector<16xi32>, vector<16xi1>
        %get3A_736 = arith.index_cast %sub3A_665 : i32 to index
        %get3A_737 = arith.constant 64 : index
        %get3A_738 = tpu.vector_load %arg4[%get3A_736, %get3A_737] {strides = array<i32>} : memref<50x128xi32, #tpu.memory_space<vmem>>, vector<16xi32>,
        %sub3A_739 = arith.constant 200 : i32
        %sub3A_740 = vector.broadcast %sub3A_739 : i32 to vector<16xi32>
        %sub3A_741 = arith.subi %get3A_738, %sub3A_740 : vector<16xi32>
        %iota3A_742 = tpu.iota {dimensions = array<i32: 0>} : vector<16xi32>
        %add3A_743 = arith.constant 64 : i32
        %add3A_744 = vector.broadcast %add3A_743 : i32 to vector<16xi32>
        %add3A_745 = arith.addi %iota3A_742, %add3A_744 : vector<16xi32>
        %ge3A_746 = arith.constant 200 : i32
        %ge3A_747 = vector.broadcast %ge3A_746 : i32 to vector<16xi32>
        %ge3A_748 = arith.cmpi sge, %get3A_738, %ge3A_747 : vector<16xi32>
        %lt3A_749 = arith.constant 400 : i32
        %lt3A_750 = vector.broadcast %lt3A_749 : i32 to vector<16xi32>
        %lt3A_751 = arith.cmpi slt, %get3A_738, %lt3A_750 : vector<16xi32>
        %and3A_752 = arith.andi %ge3A_748, %lt3A_751 : vector<16xi1>
        tpu.vector_store_idx %arg6[%sub3A_741, %add3A_745], %broadcast_in_dim3A_667 masked %and3A_752 : memref<200x128xi32, #tpu.memory_space<vmem>>[vector<16xi32>, vector<16xi32>], vector<16xi32>, vector<16xi1>
        %get3A_753 = arith.index_cast %sub3A_665 : i32 to index
        %get3A_754 = arith.constant 80 : index
        %get3A_755 = tpu.vector_load %arg4[%get3A_753, %get3A_754] {strides = array<i32>} : memref<50x128xi32, #tpu.memory_space<vmem>>, vector<16xi32>,
        %sub3A_756 = arith.constant 200 : i32
        %sub3A_757 = vector.broadcast %sub3A_756 : i32 to vector<16xi32>
        %sub3A_758 = arith.subi %get3A_755, %sub3A_757 : vector<16xi32>
        %iota3A_759 = tpu.iota {dimensions = array<i32: 0>} : vector<16xi32>
        %add3A_760 = arith.constant 80 : i32
        %add3A_761 = vector.broadcast %add3A_760 : i32 to vector<16xi32>
        %add3A_762 = arith.addi %iota3A_759, %add3A_761 : vector<16xi32>
        %ge3A_763 = arith.constant 200 : i32
        %ge3A_764 = vector.broadcast %ge3A_763 : i32 to vector<16xi32>
        %ge3A_765 = arith.cmpi sge, %get3A_755, %ge3A_764 : vector<16xi32>
        %lt3A_766 = arith.constant 400 : i32
        %lt3A_767 = vector.broadcast %lt3A_766 : i32 to vector<16xi32>
        %lt3A_768 = arith.cmpi slt, %get3A_755, %lt3A_767 : vector<16xi32>
        %and3A_769 = arith.andi %ge3A_765, %lt3A_768 : vector<16xi1>
        tpu.vector_store_idx %arg6[%sub3A_758, %add3A_762], %broadcast_in_dim3A_667 masked %and3A_769 : memref<200x128xi32, #tpu.memory_space<vmem>>[vector<16xi32>, vector<16xi32>], vector<16xi32>, vector<16xi1>
        %get3A_770 = arith.index_cast %sub3A_665 : i32 to index
        %get3A_771 = arith.constant 96 : index
        %get3A_772 = tpu.vector_load %arg4[%get3A_770, %get3A_771] {strides = array<i32>} : memref<50x128xi32, #tpu.memory_space<vmem>>, vector<16xi32>,
        %sub3A_773 = arith.constant 200 : i32
        %sub3A_774 = vector.broadcast %sub3A_773 : i32 to vector<16xi32>
        %sub3A_775 = arith.subi %get3A_772, %sub3A_774 : vector<16xi32>
        %iota3A_776 = tpu.iota {dimensions = array<i32: 0>} : vector<16xi32>
        %add3A_777 = arith.constant 96 : i32
        %add3A_778 = vector.broadcast %add3A_777 : i32 to vector<16xi32>
        %add3A_779 = arith.addi %iota3A_776, %add3A_778 : vector<16xi32>
        %ge3A_780 = arith.constant 200 : i32
        %ge3A_781 = vector.broadcast %ge3A_780 : i32 to vector<16xi32>
        %ge3A_782 = arith.cmpi sge, %get3A_772, %ge3A_781 : vector<16xi32>
        %lt3A_783 = arith.constant 400 : i32
        %lt3A_784 = vector.broadcast %lt3A_783 : i32 to vector<16xi32>
        %lt3A_785 = arith.cmpi slt, %get3A_772, %lt3A_784 : vector<16xi32>
        %and3A_786 = arith.andi %ge3A_782, %lt3A_785 : vector<16xi1>
        tpu.vector_store_idx %arg6[%sub3A_775, %add3A_779], %broadcast_in_dim3A_667 masked %and3A_786 : memref<200x128xi32, #tpu.memory_space<vmem>>[vector<16xi32>, vector<16xi32>], vector<16xi32>, vector<16xi1>
        %get3A_787 = arith.index_cast %sub3A_665 : i32 to index
        %get3A_788 = arith.constant 112 : index
        %get3A_789 = tpu.vector_load %arg4[%get3A_787, %get3A_788] {strides = array<i32>} : memref<50x128xi32, #tpu.memory_space<vmem>>, vector<16xi32>,
        %sub3A_790 = arith.constant 200 : i32
        %sub3A_791 = vector.broadcast %sub3A_790 : i32 to vector<16xi32>
        %sub3A_792 = arith.subi %get3A_789, %sub3A_791 : vector<16xi32>
        %iota3A_793 = tpu.iota {dimensions = array<i32: 0>} : vector<16xi32>
        %add3A_794 = arith.constant 112 : i32
        %add3A_795 = vector.broadcast %add3A_794 : i32 to vector<16xi32>
        %add3A_796 = arith.addi %iota3A_793, %add3A_795 : vector<16xi32>
        %ge3A_797 = arith.constant 200 : i32
        %ge3A_798 = vector.broadcast %ge3A_797 : i32 to vector<16xi32>
        %ge3A_799 = arith.cmpi sge, %get3A_789, %ge3A_798 : vector<16xi32>
        %lt3A_800 = arith.constant 400 : i32
        %lt3A_801 = vector.broadcast %lt3A_800 : i32 to vector<16xi32>
        %lt3A_802 = arith.cmpi slt, %get3A_789, %lt3A_801 : vector<16xi32>
        %and3A_803 = arith.andi %ge3A_799, %lt3A_802 : vector<16xi1>
        tpu.vector_store_idx %arg6[%sub3A_792, %add3A_796], %broadcast_in_dim3A_667 masked %and3A_803 : memref<200x128xi32, #tpu.memory_space<vmem>>[vector<16xi32>, vector<16xi32>], vector<16xi32>, vector<16xi1>
      } else {
      }
      %broadcast_in_dim3A_208 = arith.constant 1 : i32
      %broadcast_in_dim3A_209 = vector.broadcast %broadcast_in_dim3A_208 : i32 to vector<16xi32>
      %get3A_210 = arith.index_cast %scan3A_60 : i32 to index
      %get3A_211 = arith.constant 0 : index
      %get3A_212 = tpu.vector_load %arg4[%get3A_210, %get3A_211] {strides = array<i32>} : memref<50x128xi32, #tpu.memory_space<vmem>>, vector<16xi32>,
      %sub3A_213 = arith.constant 200 : i32
      %sub3A_214 = vector.broadcast %sub3A_213 : i32 to vector<16xi32>
      %sub3A_215 = arith.subi %get3A_212, %sub3A_214 : vector<16xi32>
      %iota3A_216 = tpu.iota {dimensions = array<i32: 0>} : vector<16xi32>
      %add3A_217 = arith.constant 0 : i32
      %add3A_218 = vector.broadcast %add3A_217 : i32 to vector<16xi32>
      %add3A_219 = arith.addi %iota3A_216, %add3A_218 : vector<16xi32>
      %ge3A_220 = arith.constant 200 : i32
      %ge3A_221 = vector.broadcast %ge3A_220 : i32 to vector<16xi32>
      %ge3A_222 = arith.cmpi sge, %get3A_212, %ge3A_221 : vector<16xi32>
      %lt3A_223 = arith.constant 400 : i32
      %lt3A_224 = vector.broadcast %lt3A_223 : i32 to vector<16xi32>
      %lt3A_225 = arith.cmpi slt, %get3A_212, %lt3A_224 : vector<16xi32>
      %and3A_226 = arith.andi %ge3A_222, %lt3A_225 : vector<16xi1>
      tpu.vector_store_idx %arg6[%sub3A_215, %add3A_219], %broadcast_in_dim3A_209 masked %and3A_226 : memref<200x128xi32, #tpu.memory_space<vmem>>[vector<16xi32>, vector<16xi32>], vector<16xi32>, vector<16xi1>
      %get3A_227 = arith.index_cast %scan3A_60 : i32 to index
      %get3A_228 = arith.constant 16 : index
      %get3A_229 = tpu.vector_load %arg4[%get3A_227, %get3A_228] {strides = array<i32>} : memref<50x128xi32, #tpu.memory_space<vmem>>, vector<16xi32>,
      %sub3A_230 = arith.constant 200 : i32
      %sub3A_231 = vector.broadcast %sub3A_230 : i32 to vector<16xi32>
      %sub3A_232 = arith.subi %get3A_229, %sub3A_231 : vector<16xi32>
      %iota3A_233 = tpu.iota {dimensions = array<i32: 0>} : vector<16xi32>
      %add3A_234 = arith.constant 16 : i32
      %add3A_235 = vector.broadcast %add3A_234 : i32 to vector<16xi32>
      %add3A_236 = arith.addi %iota3A_233, %add3A_235 : vector<16xi32>
      %ge3A_237 = arith.constant 200 : i32
      %ge3A_238 = vector.broadcast %ge3A_237 : i32 to vector<16xi32>
      %ge3A_239 = arith.cmpi sge, %get3A_229, %ge3A_238 : vector<16xi32>
      %lt3A_240 = arith.constant 400 : i32
      %lt3A_241 = vector.broadcast %lt3A_240 : i32 to vector<16xi32>
      %lt3A_242 = arith.cmpi slt, %get3A_229, %lt3A_241 : vector<16xi32>
      %and3A_243 = arith.andi %ge3A_239, %lt3A_242 : vector<16xi1>
      tpu.vector_store_idx %arg6[%sub3A_232, %add3A_236], %broadcast_in_dim3A_209 masked %and3A_243 : memref<200x128xi32, #tpu.memory_space<vmem>>[vector<16xi32>, vector<16xi32>], vector<16xi32>, vector<16xi1>
      %get3A_244 = arith.index_cast %scan3A_60 : i32 to index
      %get3A_245 = arith.constant 32 : index
      %get3A_246 = tpu.vector_load %arg4[%get3A_244, %get3A_245] {strides = array<i32>} : memref<50x128xi32, #tpu.memory_space<vmem>>, vector<16xi32>,
      %sub3A_247 = arith.constant 200 : i32
      %sub3A_248 = vector.broadcast %sub3A_247 : i32 to vector<16xi32>
      %sub3A_249 = arith.subi %get3A_246, %sub3A_248 : vector<16xi32>
      %iota3A_250 = tpu.iota {dimensions = array<i32: 0>} : vector<16xi32>
      %add3A_251 = arith.constant 32 : i32
      %add3A_252 = vector.broadcast %add3A_251 : i32 to vector<16xi32>
      %add3A_253 = arith.addi %iota3A_250, %add3A_252 : vector<16xi32>
      %ge3A_254 = arith.constant 200 : i32
      %ge3A_255 = vector.broadcast %ge3A_254 : i32 to vector<16xi32>
      %ge3A_256 = arith.cmpi sge, %get3A_246, %ge3A_255 : vector<16xi32>
      %lt3A_257 = arith.constant 400 : i32
      %lt3A_258 = vector.broadcast %lt3A_257 : i32 to vector<16xi32>
      %lt3A_259 = arith.cmpi slt, %get3A_246, %lt3A_258 : vector<16xi32>
      %and3A_260 = arith.andi %ge3A_256, %lt3A_259 : vector<16xi1>
      tpu.vector_store_idx %arg6[%sub3A_249, %add3A_253], %broadcast_in_dim3A_209 masked %and3A_260 : memref<200x128xi32, #tpu.memory_space<vmem>>[vector<16xi32>, vector<16xi32>], vector<16xi32>, vector<16xi1>
      %get3A_261 = arith.index_cast %scan3A_60 : i32 to index
      %get3A_262 = arith.constant 48 : index
      %get3A_263 = tpu.vector_load %arg4[%get3A_261, %get3A_262] {strides = array<i32>} : memref<50x128xi32, #tpu.memory_space<vmem>>, vector<16xi32>,
      %sub3A_264 = arith.constant 200 : i32
      %sub3A_265 = vector.broadcast %sub3A_264 : i32 to vector<16xi32>
      %sub3A_266 = arith.subi %get3A_263, %sub3A_265 : vector<16xi32>
      %iota3A_267 = tpu.iota {dimensions = array<i32: 0>} : vector<16xi32>
      %add3A_268 = arith.constant 48 : i32
      %add3A_269 = vector.broadcast %add3A_268 : i32 to vector<16xi32>
      %add3A_270 = arith.addi %iota3A_267, %add3A_269 : vector<16xi32>
      %ge3A_271 = arith.constant 200 : i32
      %ge3A_272 = vector.broadcast %ge3A_271 : i32 to vector<16xi32>
      %ge3A_273 = arith.cmpi sge, %get3A_263, %ge3A_272 : vector<16xi32>
      %lt3A_274 = arith.constant 400 : i32
      %lt3A_275 = vector.broadcast %lt3A_274 : i32 to vector<16xi32>
      %lt3A_276 = arith.cmpi slt, %get3A_263, %lt3A_275 : vector<16xi32>
      %and3A_277 = arith.andi %ge3A_273, %lt3A_276 : vector<16xi1>
      tpu.vector_store_idx %arg6[%sub3A_266, %add3A_270], %broadcast_in_dim3A_209 masked %and3A_277 : memref<200x128xi32, #tpu.memory_space<vmem>>[vector<16xi32>, vector<16xi32>], vector<16xi32>, vector<16xi1>
      %get3A_278 = arith.index_cast %scan3A_60 : i32 to index
      %get3A_279 = arith.constant 64 : index
      %get3A_280 = tpu.vector_load %arg4[%get3A_278, %get3A_279] {strides = array<i32>} : memref<50x128xi32, #tpu.memory_space<vmem>>, vector<16xi32>,
      %sub3A_281 = arith.constant 200 : i32
      %sub3A_282 = vector.broadcast %sub3A_281 : i32 to vector<16xi32>
      %sub3A_283 = arith.subi %get3A_280, %sub3A_282 : vector<16xi32>
      %iota3A_284 = tpu.iota {dimensions = array<i32: 0>} : vector<16xi32>
      %add3A_285 = arith.constant 64 : i32
      %add3A_286 = vector.broadcast %add3A_285 : i32 to vector<16xi32>
      %add3A_287 = arith.addi %iota3A_284, %add3A_286 : vector<16xi32>
      %ge3A_288 = arith.constant 200 : i32
      %ge3A_289 = vector.broadcast %ge3A_288 : i32 to vector<16xi32>
      %ge3A_290 = arith.cmpi sge, %get3A_280, %ge3A_289 : vector<16xi32>
      %lt3A_291 = arith.constant 400 : i32
      %lt3A_292 = vector.broadcast %lt3A_291 : i32 to vector<16xi32>
      %lt3A_293 = arith.cmpi slt, %get3A_280, %lt3A_292 : vector<16xi32>
      %and3A_294 = arith.andi %ge3A_290, %lt3A_293 : vector<16xi1>
      tpu.vector_store_idx %arg6[%sub3A_283, %add3A_287], %broadcast_in_dim3A_209 masked %and3A_294 : memref<200x128xi32, #tpu.memory_space<vmem>>[vector<16xi32>, vector<16xi32>], vector<16xi32>, vector<16xi1>
      %get3A_295 = arith.index_cast %scan3A_60 : i32 to index
      %get3A_296 = arith.constant 80 : index
      %get3A_297 = tpu.vector_load %arg4[%get3A_295, %get3A_296] {strides = array<i32>} : memref<50x128xi32, #tpu.memory_space<vmem>>, vector<16xi32>,
      %sub3A_298 = arith.constant 200 : i32
      %sub3A_299 = vector.broadcast %sub3A_298 : i32 to vector<16xi32>
      %sub3A_300 = arith.subi %get3A_297, %sub3A_299 : vector<16xi32>
      %iota3A_301 = tpu.iota {dimensions = array<i32: 0>} : vector<16xi32>
      %add3A_302 = arith.constant 80 : i32
      %add3A_303 = vector.broadcast %add3A_302 : i32 to vector<16xi32>
      %add3A_304 = arith.addi %iota3A_301, %add3A_303 : vector<16xi32>
      %ge3A_305 = arith.constant 200 : i32
      %ge3A_306 = vector.broadcast %ge3A_305 : i32 to vector<16xi32>
      %ge3A_307 = arith.cmpi sge, %get3A_297, %ge3A_306 : vector<16xi32>
      %lt3A_308 = arith.constant 400 : i32
      %lt3A_309 = vector.broadcast %lt3A_308 : i32 to vector<16xi32>
      %lt3A_310 = arith.cmpi slt, %get3A_297, %lt3A_309 : vector<16xi32>
      %and3A_311 = arith.andi %ge3A_307, %lt3A_310 : vector<16xi1>
      tpu.vector_store_idx %arg6[%sub3A_300, %add3A_304], %broadcast_in_dim3A_209 masked %and3A_311 : memref<200x128xi32, #tpu.memory_space<vmem>>[vector<16xi32>, vector<16xi32>], vector<16xi32>, vector<16xi1>
      %get3A_312 = arith.index_cast %scan3A_60 : i32 to index
      %get3A_313 = arith.constant 96 : index
      %get3A_314 = tpu.vector_load %arg4[%get3A_312, %get3A_313] {strides = array<i32>} : memref<50x128xi32, #tpu.memory_space<vmem>>, vector<16xi32>,
      %sub3A_315 = arith.constant 200 : i32
      %sub3A_316 = vector.broadcast %sub3A_315 : i32 to vector<16xi32>
      %sub3A_317 = arith.subi %get3A_314, %sub3A_316 : vector<16xi32>
      %iota3A_318 = tpu.iota {dimensions = array<i32: 0>} : vector<16xi32>
      %add3A_319 = arith.constant 96 : i32
      %add3A_320 = vector.broadcast %add3A_319 : i32 to vector<16xi32>
      %add3A_321 = arith.addi %iota3A_318, %add3A_320 : vector<16xi32>
      %ge3A_322 = arith.constant 200 : i32
      %ge3A_323 = vector.broadcast %ge3A_322 : i32 to vector<16xi32>
      %ge3A_324 = arith.cmpi sge, %get3A_314, %ge3A_323 : vector<16xi32>
      %lt3A_325 = arith.constant 400 : i32
      %lt3A_326 = vector.broadcast %lt3A_325 : i32 to vector<16xi32>
      %lt3A_327 = arith.cmpi slt, %get3A_314, %lt3A_326 : vector<16xi32>
      %and3A_328 = arith.andi %ge3A_324, %lt3A_327 : vector<16xi1>
      tpu.vector_store_idx %arg6[%sub3A_317, %add3A_321], %broadcast_in_dim3A_209 masked %and3A_328 : memref<200x128xi32, #tpu.memory_space<vmem>>[vector<16xi32>, vector<16xi32>], vector<16xi32>, vector<16xi1>
      %get3A_329 = arith.index_cast %scan3A_60 : i32 to index
      %get3A_330 = arith.constant 112 : index
      %get3A_331 = tpu.vector_load %arg4[%get3A_329, %get3A_330] {strides = array<i32>} : memref<50x128xi32, #tpu.memory_space<vmem>>, vector<16xi32>,
      %sub3A_332 = arith.constant 200 : i32
      %sub3A_333 = vector.broadcast %sub3A_332 : i32 to vector<16xi32>
      %sub3A_334 = arith.subi %get3A_331, %sub3A_333 : vector<16xi32>
      %iota3A_335 = tpu.iota {dimensions = array<i32: 0>} : vector<16xi32>
      %add3A_336 = arith.constant 112 : i32
      %add3A_337 = vector.broadcast %add3A_336 : i32 to vector<16xi32>
      %add3A_338 = arith.addi %iota3A_335, %add3A_337 : vector<16xi32>
      %ge3A_339 = arith.constant 200 : i32
      %ge3A_340 = vector.broadcast %ge3A_339 : i32 to vector<16xi32>
      %ge3A_341 = arith.cmpi sge, %get3A_331, %ge3A_340 : vector<16xi32>
      %lt3A_342 = arith.constant 400 : i32
      %lt3A_343 = vector.broadcast %lt3A_342 : i32 to vector<16xi32>
      %lt3A_344 = arith.cmpi slt, %get3A_331, %lt3A_343 : vector<16xi32>
      %and3A_345 = arith.andi %ge3A_341, %lt3A_344 : vector<16xi1>
      tpu.vector_store_idx %arg6[%sub3A_334, %add3A_338], %broadcast_in_dim3A_209 masked %and3A_345 : memref<200x128xi32, #tpu.memory_space<vmem>>[vector<16xi32>, vector<16xi32>], vector<16xi32>, vector<16xi1>
      %dma_start3A_346 = arith.constant 200 : i32
      %dma_start3A_347 = tpu.memref_slice %arg3[%scan3A_60, %dma_start3A_346, %mul3A_202] : memref<50x805x4096xi32, #tpu.memory_space<hbm>> -> memref<1x200x128xi32, #tpu.memory_space<hbm>>
      %dma_start3A_348 = tpu.memref_squeeze %dma_start3A_347 : memref<1x200x128xi32, #tpu.memory_space<hbm>> -> memref<200x128xi32, #tpu.memory_space<hbm>>
      %dma_start3A_349 = arith.constant 200 : i32
      %dma_start3A_350 = tpu.memref_slice %arg3[%scan3A_60, %dma_start3A_349, %mul3A_202] : memref<50x805x4096xi32, #tpu.memory_space<hbm>> -> memref<1x200x128xi32, #tpu.memory_space<hbm>>
      %dma_start3A_351 = tpu.memref_squeeze %dma_start3A_350 : memref<1x200x128xi32, #tpu.memory_space<hbm>> -> memref<200x128xi32, #tpu.memory_space<hbm>>
      tpu.enqueue_dma source(%arg6 : memref<200x128xi32, #tpu.memory_space<vmem>>) target(%dma_start3A_351 : memref<200x128xi32, #tpu.memory_space<hbm>>) target_semaphore(%arg10 : memref<!tpu.dma_semaphore, #tpu.memory_space<semaphore_mem>>)
      %mul3A_352 = arith.constant 128 : i32
      %mul3A_353 = arith.muli %mul3A_352, %add3A : i32
      %gt3A_354 = arith.constant 0 : i32
      %gt3A_355 = arith.cmpi sgt, %scan3A_60, %gt3A_354 : i32
      %convert_element_type3A_356 = arith.extui %gt3A_355 : i1 to i32
      %cond3A_357 = arith.constant 0 : i32
      %cond3A_358 = arith.cmpi ne, %convert_element_type3A_356, %cond3A_357 : i32
      scf.if %cond3A_358 {
        %sub3A_654 = arith.constant 1 : i32
        %sub3A_655 = arith.subi %scan3A_60, %sub3A_654 : i32
        %mul3A_656 = arith.constant 128 : i32
        %mul3A_657 = arith.muli %mul3A_656, %add3A : i32
        %dma_wait3A_658 = arith.constant 400 : i32
        %dma_wait3A_659 = tpu.memref_slice %arg3[%sub3A_655, %dma_wait3A_658, %mul3A_657] : memref<50x805x4096xi32, #tpu.memory_space<hbm>> -> memref<1x200x128xi32, #tpu.memory_space<hbm>>
        %dma_wait3A_660 = tpu.memref_squeeze %dma_wait3A_659 : memref<1x200x128xi32, #tpu.memory_space<hbm>> -> memref<200x128xi32, #tpu.memory_space<hbm>>
        %dma_wait3A_661 = arith.constant 400 : i32
        %dma_wait3A_662 = tpu.memref_slice %arg3[%sub3A_655, %dma_wait3A_661, %mul3A_657] : memref<50x805x4096xi32, #tpu.memory_space<hbm>> -> memref<1x200x128xi32, #tpu.memory_space<hbm>>
        %dma_wait3A_663 = tpu.memref_squeeze %dma_wait3A_662 : memref<1x200x128xi32, #tpu.memory_space<hbm>> -> memref<200x128xi32, #tpu.memory_space<hbm>>
        tpu.wait_dma2 semaphore(%arg11 : memref<!tpu.dma_semaphore, #tpu.memory_space<semaphore_mem>>) src(%arg7 : memref<200x128xi32, #tpu.memory_space<vmem>>) dst(%dma_wait3A_663 : memref<200x128xi32, #tpu.memory_space<hbm>>)
        %sub3A_664 = arith.constant 1 : i32
        %sub3A_665 = arith.subi %scan3A_60, %sub3A_664 : i32
        %broadcast_in_dim3A_666 = arith.constant 0 : i32
        %broadcast_in_dim3A_667 = vector.broadcast %broadcast_in_dim3A_666 : i32 to vector<16xi32>
        %get3A_668 = arith.index_cast %sub3A_665 : i32 to index
        %get3A_669 = arith.constant 0 : index
        %get3A_670 = tpu.vector_load %arg4[%get3A_668, %get3A_669] {strides = array<i32>} : memref<50x128xi32, #tpu.memory_space<vmem>>, vector<16xi32>,
        %sub3A_671 = arith.constant 400 : i32
        %sub3A_672 = vector.broadcast %sub3A_671 : i32 to vector<16xi32>
        %sub3A_673 = arith.subi %get3A_670, %sub3A_672 : vector<16xi32>
        %iota3A_674 = tpu.iota {dimensions = array<i32: 0>} : vector<16xi32>
        %add3A_675 = arith.constant 0 : i32
        %add3A_676 = vector.broadcast %add3A_675 : i32 to vector<16xi32>
        %add3A_677 = arith.addi %iota3A_674, %add3A_676 : vector<16xi32>
        %ge3A_678 = arith.constant 400 : i32
        %ge3A_679 = vector.broadcast %ge3A_678 : i32 to vector<16xi32>
        %ge3A_680 = arith.cmpi sge, %get3A_670, %ge3A_679 : vector<16xi32>
        %lt3A_681 = arith.constant 600 : i32
        %lt3A_682 = vector.broadcast %lt3A_681 : i32 to vector<16xi32>
        %lt3A_683 = arith.cmpi slt, %get3A_670, %lt3A_682 : vector<16xi32>
        %and3A_684 = arith.andi %ge3A_680, %lt3A_683 : vector<16xi1>
        tpu.vector_store_idx %arg7[%sub3A_673, %add3A_677], %broadcast_in_dim3A_667 masked %and3A_684 : memref<200x128xi32, #tpu.memory_space<vmem>>[vector<16xi32>, vector<16xi32>], vector<16xi32>, vector<16xi1>
        %get3A_685 = arith.index_cast %sub3A_665 : i32 to index
        %get3A_686 = arith.constant 16 : index
        %get3A_687 = tpu.vector_load %arg4[%get3A_685, %get3A_686] {strides = array<i32>} : memref<50x128xi32, #tpu.memory_space<vmem>>, vector<16xi32>,
        %sub3A_688 = arith.constant 400 : i32
        %sub3A_689 = vector.broadcast %sub3A_688 : i32 to vector<16xi32>
        %sub3A_690 = arith.subi %get3A_687, %sub3A_689 : vector<16xi32>
        %iota3A_691 = tpu.iota {dimensions = array<i32: 0>} : vector<16xi32>
        %add3A_692 = arith.constant 16 : i32
        %add3A_693 = vector.broadcast %add3A_692 : i32 to vector<16xi32>
        %add3A_694 = arith.addi %iota3A_691, %add3A_693 : vector<16xi32>
        %ge3A_695 = arith.constant 400 : i32
        %ge3A_696 = vector.broadcast %ge3A_695 : i32 to vector<16xi32>
        %ge3A_697 = arith.cmpi sge, %get3A_687, %ge3A_696 : vector<16xi32>
        %lt3A_698 = arith.constant 600 : i32
        %lt3A_699 = vector.broadcast %lt3A_698 : i32 to vector<16xi32>
        %lt3A_700 = arith.cmpi slt, %get3A_687, %lt3A_699 : vector<16xi32>
        %and3A_701 = arith.andi %ge3A_697, %lt3A_700 : vector<16xi1>
        tpu.vector_store_idx %arg7[%sub3A_690, %add3A_694], %broadcast_in_dim3A_667 masked %and3A_701 : memref<200x128xi32, #tpu.memory_space<vmem>>[vector<16xi32>, vector<16xi32>], vector<16xi32>, vector<16xi1>
        %get3A_702 = arith.index_cast %sub3A_665 : i32 to index
        %get3A_703 = arith.constant 32 : index
        %get3A_704 = tpu.vector_load %arg4[%get3A_702, %get3A_703] {strides = array<i32>} : memref<50x128xi32, #tpu.memory_space<vmem>>, vector<16xi32>,
        %sub3A_705 = arith.constant 400 : i32
        %sub3A_706 = vector.broadcast %sub3A_705 : i32 to vector<16xi32>
        %sub3A_707 = arith.subi %get3A_704, %sub3A_706 : vector<16xi32>
        %iota3A_708 = tpu.iota {dimensions = array<i32: 0>} : vector<16xi32>
        %add3A_709 = arith.constant 32 : i32
        %add3A_710 = vector.broadcast %add3A_709 : i32 to vector<16xi32>
        %add3A_711 = arith.addi %iota3A_708, %add3A_710 : vector<16xi32>
        %ge3A_712 = arith.constant 400 : i32
        %ge3A_713 = vector.broadcast %ge3A_712 : i32 to vector<16xi32>
        %ge3A_714 = arith.cmpi sge, %get3A_704, %ge3A_713 : vector<16xi32>
        %lt3A_715 = arith.constant 600 : i32
        %lt3A_716 = vector.broadcast %lt3A_715 : i32 to vector<16xi32>
        %lt3A_717 = arith.cmpi slt, %get3A_704, %lt3A_716 : vector<16xi32>
        %and3A_718 = arith.andi %ge3A_714, %lt3A_717 : vector<16xi1>
        tpu.vector_store_idx %arg7[%sub3A_707, %add3A_711], %broadcast_in_dim3A_667 masked %and3A_718 : memref<200x128xi32, #tpu.memory_space<vmem>>[vector<16xi32>, vector<16xi32>], vector<16xi32>, vector<16xi1>
        %get3A_719 = arith.index_cast %sub3A_665 : i32 to index
        %get3A_720 = arith.constant 48 : index
        %get3A_721 = tpu.vector_load %arg4[%get3A_719, %get3A_720] {strides = array<i32>} : memref<50x128xi32, #tpu.memory_space<vmem>>, vector<16xi32>,
        %sub3A_722 = arith.constant 400 : i32
        %sub3A_723 = vector.broadcast %sub3A_722 : i32 to vector<16xi32>
        %sub3A_724 = arith.subi %get3A_721, %sub3A_723 : vector<16xi32>
        %iota3A_725 = tpu.iota {dimensions = array<i32: 0>} : vector<16xi32>
        %add3A_726 = arith.constant 48 : i32
        %add3A_727 = vector.broadcast %add3A_726 : i32 to vector<16xi32>
        %add3A_728 = arith.addi %iota3A_725, %add3A_727 : vector<16xi32>
        %ge3A_729 = arith.constant 400 : i32
        %ge3A_730 = vector.broadcast %ge3A_729 : i32 to vector<16xi32>
        %ge3A_731 = arith.cmpi sge, %get3A_721, %ge3A_730 : vector<16xi32>
        %lt3A_732 = arith.constant 600 : i32
        %lt3A_733 = vector.broadcast %lt3A_732 : i32 to vector<16xi32>
        %lt3A_734 = arith.cmpi slt, %get3A_721, %lt3A_733 : vector<16xi32>
        %and3A_735 = arith.andi %ge3A_731, %lt3A_734 : vector<16xi1>
        tpu.vector_store_idx %arg7[%sub3A_724, %add3A_728], %broadcast_in_dim3A_667 masked %and3A_735 : memref<200x128xi32, #tpu.memory_space<vmem>>[vector<16xi32>, vector<16xi32>], vector<16xi32>, vector<16xi1>
        %get3A_736 = arith.index_cast %sub3A_665 : i32 to index
        %get3A_737 = arith.constant 64 : index
        %get3A_738 = tpu.vector_load %arg4[%get3A_736, %get3A_737] {strides = array<i32>} : memref<50x128xi32, #tpu.memory_space<vmem>>, vector<16xi32>,
        %sub3A_739 = arith.constant 400 : i32
        %sub3A_740 = vector.broadcast %sub3A_739 : i32 to vector<16xi32>
        %sub3A_741 = arith.subi %get3A_738, %sub3A_740 : vector<16xi32>
        %iota3A_742 = tpu.iota {dimensions = array<i32: 0>} : vector<16xi32>
        %add3A_743 = arith.constant 64 : i32
        %add3A_744 = vector.broadcast %add3A_743 : i32 to vector<16xi32>
        %add3A_745 = arith.addi %iota3A_742, %add3A_744 : vector<16xi32>
        %ge3A_746 = arith.constant 400 : i32
        %ge3A_747 = vector.broadcast %ge3A_746 : i32 to vector<16xi32>
        %ge3A_748 = arith.cmpi sge, %get3A_738, %ge3A_747 : vector<16xi32>
        %lt3A_749 = arith.constant 600 : i32
        %lt3A_750 = vector.broadcast %lt3A_749 : i32 to vector<16xi32>
        %lt3A_751 = arith.cmpi slt, %get3A_738, %lt3A_750 : vector<16xi32>
        %and3A_752 = arith.andi %ge3A_748, %lt3A_751 : vector<16xi1>
        tpu.vector_store_idx %arg7[%sub3A_741, %add3A_745], %broadcast_in_dim3A_667 masked %and3A_752 : memref<200x128xi32, #tpu.memory_space<vmem>>[vector<16xi32>, vector<16xi32>], vector<16xi32>, vector<16xi1>
        %get3A_753 = arith.index_cast %sub3A_665 : i32 to index
        %get3A_754 = arith.constant 80 : index
        %get3A_755 = tpu.vector_load %arg4[%get3A_753, %get3A_754] {strides = array<i32>} : memref<50x128xi32, #tpu.memory_space<vmem>>, vector<16xi32>,
        %sub3A_756 = arith.constant 400 : i32
        %sub3A_757 = vector.broadcast %sub3A_756 : i32 to vector<16xi32>
        %sub3A_758 = arith.subi %get3A_755, %sub3A_757 : vector<16xi32>
        %iota3A_759 = tpu.iota {dimensions = array<i32: 0>} : vector<16xi32>
        %add3A_760 = arith.constant 80 : i32
        %add3A_761 = vector.broadcast %add3A_760 : i32 to vector<16xi32>
        %add3A_762 = arith.addi %iota3A_759, %add3A_761 : vector<16xi32>
        %ge3A_763 = arith.constant 400 : i32
        %ge3A_764 = vector.broadcast %ge3A_763 : i32 to vector<16xi32>
        %ge3A_765 = arith.cmpi sge, %get3A_755, %ge3A_764 : vector<16xi32>
        %lt3A_766 = arith.constant 600 : i32
        %lt3A_767 = vector.broadcast %lt3A_766 : i32 to vector<16xi32>
        %lt3A_768 = arith.cmpi slt, %get3A_755, %lt3A_767 : vector<16xi32>
        %and3A_769 = arith.andi %ge3A_765, %lt3A_768 : vector<16xi1>
        tpu.vector_store_idx %arg7[%sub3A_758, %add3A_762], %broadcast_in_dim3A_667 masked %and3A_769 : memref<200x128xi32, #tpu.memory_space<vmem>>[vector<16xi32>, vector<16xi32>], vector<16xi32>, vector<16xi1>
        %get3A_770 = arith.index_cast %sub3A_665 : i32 to index
        %get3A_771 = arith.constant 96 : index
        %get3A_772 = tpu.vector_load %arg4[%get3A_770, %get3A_771] {strides = array<i32>} : memref<50x128xi32, #tpu.memory_space<vmem>>, vector<16xi32>,
        %sub3A_773 = arith.constant 400 : i32
        %sub3A_774 = vector.broadcast %sub3A_773 : i32 to vector<16xi32>
        %sub3A_775 = arith.subi %get3A_772, %sub3A_774 : vector<16xi32>
        %iota3A_776 = tpu.iota {dimensions = array<i32: 0>} : vector<16xi32>
        %add3A_777 = arith.constant 96 : i32
        %add3A_778 = vector.broadcast %add3A_777 : i32 to vector<16xi32>
        %add3A_779 = arith.addi %iota3A_776, %add3A_778 : vector<16xi32>
        %ge3A_780 = arith.constant 400 : i32
        %ge3A_781 = vector.broadcast %ge3A_780 : i32 to vector<16xi32>
        %ge3A_782 = arith.cmpi sge, %get3A_772, %ge3A_781 : vector<16xi32>
        %lt3A_783 = arith.constant 600 : i32
        %lt3A_784 = vector.broadcast %lt3A_783 : i32 to vector<16xi32>
        %lt3A_785 = arith.cmpi slt, %get3A_772, %lt3A_784 : vector<16xi32>
        %and3A_786 = arith.andi %ge3A_782, %lt3A_785 : vector<16xi1>
        tpu.vector_store_idx %arg7[%sub3A_775, %add3A_779], %broadcast_in_dim3A_667 masked %and3A_786 : memref<200x128xi32, #tpu.memory_space<vmem>>[vector<16xi32>, vector<16xi32>], vector<16xi32>, vector<16xi1>
        %get3A_787 = arith.index_cast %sub3A_665 : i32 to index
        %get3A_788 = arith.constant 112 : index
        %get3A_789 = tpu.vector_load %arg4[%get3A_787, %get3A_788] {strides = array<i32>} : memref<50x128xi32, #tpu.memory_space<vmem>>, vector<16xi32>,
        %sub3A_790 = arith.constant 400 : i32
        %sub3A_791 = vector.broadcast %sub3A_790 : i32 to vector<16xi32>
        %sub3A_792 = arith.subi %get3A_789, %sub3A_791 : vector<16xi32>
        %iota3A_793 = tpu.iota {dimensions = array<i32: 0>} : vector<16xi32>
        %add3A_794 = arith.constant 112 : i32
        %add3A_795 = vector.broadcast %add3A_794 : i32 to vector<16xi32>
        %add3A_796 = arith.addi %iota3A_793, %add3A_795 : vector<16xi32>
        %ge3A_797 = arith.constant 400 : i32
        %ge3A_798 = vector.broadcast %ge3A_797 : i32 to vector<16xi32>
        %ge3A_799 = arith.cmpi sge, %get3A_789, %ge3A_798 : vector<16xi32>
        %lt3A_800 = arith.constant 600 : i32
        %lt3A_801 = vector.broadcast %lt3A_800 : i32 to vector<16xi32>
        %lt3A_802 = arith.cmpi slt, %get3A_789, %lt3A_801 : vector<16xi32>
        %and3A_803 = arith.andi %ge3A_799, %lt3A_802 : vector<16xi1>
        tpu.vector_store_idx %arg7[%sub3A_792, %add3A_796], %broadcast_in_dim3A_667 masked %and3A_803 : memref<200x128xi32, #tpu.memory_space<vmem>>[vector<16xi32>, vector<16xi32>], vector<16xi32>, vector<16xi1>
      } else {
      }
      %broadcast_in_dim3A_359 = arith.constant 1 : i32
      %broadcast_in_dim3A_360 = vector.broadcast %broadcast_in_dim3A_359 : i32 to vector<16xi32>
      %get3A_361 = arith.index_cast %scan3A_60 : i32 to index
      %get3A_362 = arith.constant 0 : index
      %get3A_363 = tpu.vector_load %arg4[%get3A_361, %get3A_362] {strides = array<i32>} : memref<50x128xi32, #tpu.memory_space<vmem>>, vector<16xi32>,
      %sub3A_364 = arith.constant 400 : i32
      %sub3A_365 = vector.broadcast %sub3A_364 : i32 to vector<16xi32>
      %sub3A_366 = arith.subi %get3A_363, %sub3A_365 : vector<16xi32>
      %iota3A_367 = tpu.iota {dimensions = array<i32: 0>} : vector<16xi32>
      %add3A_368 = arith.constant 0 : i32
      %add3A_369 = vector.broadcast %add3A_368 : i32 to vector<16xi32>
      %add3A_370 = arith.addi %iota3A_367, %add3A_369 : vector<16xi32>
      %ge3A_371 = arith.constant 400 : i32
      %ge3A_372 = vector.broadcast %ge3A_371 : i32 to vector<16xi32>
      %ge3A_373 = arith.cmpi sge, %get3A_363, %ge3A_372 : vector<16xi32>
      %lt3A_374 = arith.constant 600 : i32
      %lt3A_375 = vector.broadcast %lt3A_374 : i32 to vector<16xi32>
      %lt3A_376 = arith.cmpi slt, %get3A_363, %lt3A_375 : vector<16xi32>
      %and3A_377 = arith.andi %ge3A_373, %lt3A_376 : vector<16xi1>
      tpu.vector_store_idx %arg7[%sub3A_366, %add3A_370], %broadcast_in_dim3A_360 masked %and3A_377 : memref<200x128xi32, #tpu.memory_space<vmem>>[vector<16xi32>, vector<16xi32>], vector<16xi32>, vector<16xi1>
      %get3A_378 = arith.index_cast %scan3A_60 : i32 to index
      %get3A_379 = arith.constant 16 : index
      %get3A_380 = tpu.vector_load %arg4[%get3A_378, %get3A_379] {strides = array<i32>} : memref<50x128xi32, #tpu.memory_space<vmem>>, vector<16xi32>,
      %sub3A_381 = arith.constant 400 : i32
      %sub3A_382 = vector.broadcast %sub3A_381 : i32 to vector<16xi32>
      %sub3A_383 = arith.subi %get3A_380, %sub3A_382 : vector<16xi32>
      %iota3A_384 = tpu.iota {dimensions = array<i32: 0>} : vector<16xi32>
      %add3A_385 = arith.constant 16 : i32
      %add3A_386 = vector.broadcast %add3A_385 : i32 to vector<16xi32>
      %add3A_387 = arith.addi %iota3A_384, %add3A_386 : vector<16xi32>
      %ge3A_388 = arith.constant 400 : i32
      %ge3A_389 = vector.broadcast %ge3A_388 : i32 to vector<16xi32>
      %ge3A_390 = arith.cmpi sge, %get3A_380, %ge3A_389 : vector<16xi32>
      %lt3A_391 = arith.constant 600 : i32
      %lt3A_392 = vector.broadcast %lt3A_391 : i32 to vector<16xi32>
      %lt3A_393 = arith.cmpi slt, %get3A_380, %lt3A_392 : vector<16xi32>
      %and3A_394 = arith.andi %ge3A_390, %lt3A_393 : vector<16xi1>
      tpu.vector_store_idx %arg7[%sub3A_383, %add3A_387], %broadcast_in_dim3A_360 masked %and3A_394 : memref<200x128xi32, #tpu.memory_space<vmem>>[vector<16xi32>, vector<16xi32>], vector<16xi32>, vector<16xi1>
      %get3A_395 = arith.index_cast %scan3A_60 : i32 to index
      %get3A_396 = arith.constant 32 : index
      %get3A_397 = tpu.vector_load %arg4[%get3A_395, %get3A_396] {strides = array<i32>} : memref<50x128xi32, #tpu.memory_space<vmem>>, vector<16xi32>,
      %sub3A_398 = arith.constant 400 : i32
      %sub3A_399 = vector.broadcast %sub3A_398 : i32 to vector<16xi32>
      %sub3A_400 = arith.subi %get3A_397, %sub3A_399 : vector<16xi32>
      %iota3A_401 = tpu.iota {dimensions = array<i32: 0>} : vector<16xi32>
      %add3A_402 = arith.constant 32 : i32
      %add3A_403 = vector.broadcast %add3A_402 : i32 to vector<16xi32>
      %add3A_404 = arith.addi %iota3A_401, %add3A_403 : vector<16xi32>
      %ge3A_405 = arith.constant 400 : i32
      %ge3A_406 = vector.broadcast %ge3A_405 : i32 to vector<16xi32>
      %ge3A_407 = arith.cmpi sge, %get3A_397, %ge3A_406 : vector<16xi32>
      %lt3A_408 = arith.constant 600 : i32
      %lt3A_409 = vector.broadcast %lt3A_408 : i32 to vector<16xi32>
      %lt3A_410 = arith.cmpi slt, %get3A_397, %lt3A_409 : vector<16xi32>
      %and3A_411 = arith.andi %ge3A_407, %lt3A_410 : vector<16xi1>
      tpu.vector_store_idx %arg7[%sub3A_400, %add3A_404], %broadcast_in_dim3A_360 masked %and3A_411 : memref<200x128xi32, #tpu.memory_space<vmem>>[vector<16xi32>, vector<16xi32>], vector<16xi32>, vector<16xi1>
      %get3A_412 = arith.index_cast %scan3A_60 : i32 to index
      %get3A_413 = arith.constant 48 : index
      %get3A_414 = tpu.vector_load %arg4[%get3A_412, %get3A_413] {strides = array<i32>} : memref<50x128xi32, #tpu.memory_space<vmem>>, vector<16xi32>,
      %sub3A_415 = arith.constant 400 : i32
      %sub3A_416 = vector.broadcast %sub3A_415 : i32 to vector<16xi32>
      %sub3A_417 = arith.subi %get3A_414, %sub3A_416 : vector<16xi32>
      %iota3A_418 = tpu.iota {dimensions = array<i32: 0>} : vector<16xi32>
      %add3A_419 = arith.constant 48 : i32
      %add3A_420 = vector.broadcast %add3A_419 : i32 to vector<16xi32>
      %add3A_421 = arith.addi %iota3A_418, %add3A_420 : vector<16xi32>
      %ge3A_422 = arith.constant 400 : i32
      %ge3A_423 = vector.broadcast %ge3A_422 : i32 to vector<16xi32>
      %ge3A_424 = arith.cmpi sge, %get3A_414, %ge3A_423 : vector<16xi32>
      %lt3A_425 = arith.constant 600 : i32
      %lt3A_426 = vector.broadcast %lt3A_425 : i32 to vector<16xi32>
      %lt3A_427 = arith.cmpi slt, %get3A_414, %lt3A_426 : vector<16xi32>
      %and3A_428 = arith.andi %ge3A_424, %lt3A_427 : vector<16xi1>
      tpu.vector_store_idx %arg7[%sub3A_417, %add3A_421], %broadcast_in_dim3A_360 masked %and3A_428 : memref<200x128xi32, #tpu.memory_space<vmem>>[vector<16xi32>, vector<16xi32>], vector<16xi32>, vector<16xi1>
      %get3A_429 = arith.index_cast %scan3A_60 : i32 to index
      %get3A_430 = arith.constant 64 : index
      %get3A_431 = tpu.vector_load %arg4[%get3A_429, %get3A_430] {strides = array<i32>} : memref<50x128xi32, #tpu.memory_space<vmem>>, vector<16xi32>,
      %sub3A_432 = arith.constant 400 : i32
      %sub3A_433 = vector.broadcast %sub3A_432 : i32 to vector<16xi32>
      %sub3A_434 = arith.subi %get3A_431, %sub3A_433 : vector<16xi32>
      %iota3A_435 = tpu.iota {dimensions = array<i32: 0>} : vector<16xi32>
      %add3A_436 = arith.constant 64 : i32
      %add3A_437 = vector.broadcast %add3A_436 : i32 to vector<16xi32>
      %add3A_438 = arith.addi %iota3A_435, %add3A_437 : vector<16xi32>
      %ge3A_439 = arith.constant 400 : i32
      %ge3A_440 = vector.broadcast %ge3A_439 : i32 to vector<16xi32>
      %ge3A_441 = arith.cmpi sge, %get3A_431, %ge3A_440 : vector<16xi32>
      %lt3A_442 = arith.constant 600 : i32
      %lt3A_443 = vector.broadcast %lt3A_442 : i32 to vector<16xi32>
      %lt3A_444 = arith.cmpi slt, %get3A_431, %lt3A_443 : vector<16xi32>
      %and3A_445 = arith.andi %ge3A_441, %lt3A_444 : vector<16xi1>
      tpu.vector_store_idx %arg7[%sub3A_434, %add3A_438], %broadcast_in_dim3A_360 masked %and3A_445 : memref<200x128xi32, #tpu.memory_space<vmem>>[vector<16xi32>, vector<16xi32>], vector<16xi32>, vector<16xi1>
      %get3A_446 = arith.index_cast %scan3A_60 : i32 to index
      %get3A_447 = arith.constant 80 : index
      %get3A_448 = tpu.vector_load %arg4[%get3A_446, %get3A_447] {strides = array<i32>} : memref<50x128xi32, #tpu.memory_space<vmem>>, vector<16xi32>,
      %sub3A_449 = arith.constant 400 : i32
      %sub3A_450 = vector.broadcast %sub3A_449 : i32 to vector<16xi32>
      %sub3A_451 = arith.subi %get3A_448, %sub3A_450 : vector<16xi32>
      %iota3A_452 = tpu.iota {dimensions = array<i32: 0>} : vector<16xi32>
      %add3A_453 = arith.constant 80 : i32
      %add3A_454 = vector.broadcast %add3A_453 : i32 to vector<16xi32>
      %add3A_455 = arith.addi %iota3A_452, %add3A_454 : vector<16xi32>
      %ge3A_456 = arith.constant 400 : i32
      %ge3A_457 = vector.broadcast %ge3A_456 : i32 to vector<16xi32>
      %ge3A_458 = arith.cmpi sge, %get3A_448, %ge3A_457 : vector<16xi32>
      %lt3A_459 = arith.constant 600 : i32
      %lt3A_460 = vector.broadcast %lt3A_459 : i32 to vector<16xi32>
      %lt3A_461 = arith.cmpi slt, %get3A_448, %lt3A_460 : vector<16xi32>
      %and3A_462 = arith.andi %ge3A_458, %lt3A_461 : vector<16xi1>
      tpu.vector_store_idx %arg7[%sub3A_451, %add3A_455], %broadcast_in_dim3A_360 masked %and3A_462 : memref<200x128xi32, #tpu.memory_space<vmem>>[vector<16xi32>, vector<16xi32>], vector<16xi32>, vector<16xi1>
      %get3A_463 = arith.index_cast %scan3A_60 : i32 to index
      %get3A_464 = arith.constant 96 : index
      %get3A_465 = tpu.vector_load %arg4[%get3A_463, %get3A_464] {strides = array<i32>} : memref<50x128xi32, #tpu.memory_space<vmem>>, vector<16xi32>,
      %sub3A_466 = arith.constant 400 : i32
      %sub3A_467 = vector.broadcast %sub3A_466 : i32 to vector<16xi32>
      %sub3A_468 = arith.subi %get3A_465, %sub3A_467 : vector<16xi32>
      %iota3A_469 = tpu.iota {dimensions = array<i32: 0>} : vector<16xi32>
      %add3A_470 = arith.constant 96 : i32
      %add3A_471 = vector.broadcast %add3A_470 : i32 to vector<16xi32>
      %add3A_472 = arith.addi %iota3A_469, %add3A_471 : vector<16xi32>
      %ge3A_473 = arith.constant 400 : i32
      %ge3A_474 = vector.broadcast %ge3A_473 : i32 to vector<16xi32>
      %ge3A_475 = arith.cmpi sge, %get3A_465, %ge3A_474 : vector<16xi32>
      %lt3A_476 = arith.constant 600 : i32
      %lt3A_477 = vector.broadcast %lt3A_476 : i32 to vector<16xi32>
      %lt3A_478 = arith.cmpi slt, %get3A_465, %lt3A_477 : vector<16xi32>
      %and3A_479 = arith.andi %ge3A_475, %lt3A_478 : vector<16xi1>
      tpu.vector_store_idx %arg7[%sub3A_468, %add3A_472], %broadcast_in_dim3A_360 masked %and3A_479 : memref<200x128xi32, #tpu.memory_space<vmem>>[vector<16xi32>, vector<16xi32>], vector<16xi32>, vector<16xi1>
      %get3A_480 = arith.index_cast %scan3A_60 : i32 to index
      %get3A_481 = arith.constant 112 : index
      %get3A_482 = tpu.vector_load %arg4[%get3A_480, %get3A_481] {strides = array<i32>} : memref<50x128xi32, #tpu.memory_space<vmem>>, vector<16xi32>,
      %sub3A_483 = arith.constant 400 : i32
      %sub3A_484 = vector.broadcast %sub3A_483 : i32 to vector<16xi32>
      %sub3A_485 = arith.subi %get3A_482, %sub3A_484 : vector<16xi32>
      %iota3A_486 = tpu.iota {dimensions = array<i32: 0>} : vector<16xi32>
      %add3A_487 = arith.constant 112 : i32
      %add3A_488 = vector.broadcast %add3A_487 : i32 to vector<16xi32>
      %add3A_489 = arith.addi %iota3A_486, %add3A_488 : vector<16xi32>
      %ge3A_490 = arith.constant 400 : i32
      %ge3A_491 = vector.broadcast %ge3A_490 : i32 to vector<16xi32>
      %ge3A_492 = arith.cmpi sge, %get3A_482, %ge3A_491 : vector<16xi32>
      %lt3A_493 = arith.constant 600 : i32
      %lt3A_494 = vector.broadcast %lt3A_493 : i32 to vector<16xi32>
      %lt3A_495 = arith.cmpi slt, %get3A_482, %lt3A_494 : vector<16xi32>
      %and3A_496 = arith.andi %ge3A_492, %lt3A_495 : vector<16xi1>
      tpu.vector_store_idx %arg7[%sub3A_485, %add3A_489], %broadcast_in_dim3A_360 masked %and3A_496 : memref<200x128xi32, #tpu.memory_space<vmem>>[vector<16xi32>, vector<16xi32>], vector<16xi32>, vector<16xi1>
      %dma_start3A_497 = arith.constant 400 : i32
      %dma_start3A_498 = tpu.memref_slice %arg3[%scan3A_60, %dma_start3A_497, %mul3A_353] : memref<50x805x4096xi32, #tpu.memory_space<hbm>> -> memref<1x200x128xi32, #tpu.memory_space<hbm>>
      %dma_start3A_499 = tpu.memref_squeeze %dma_start3A_498 : memref<1x200x128xi32, #tpu.memory_space<hbm>> -> memref<200x128xi32, #tpu.memory_space<hbm>>
      %dma_start3A_500 = arith.constant 400 : i32
      %dma_start3A_501 = tpu.memref_slice %arg3[%scan3A_60, %dma_start3A_500, %mul3A_353] : memref<50x805x4096xi32, #tpu.memory_space<hbm>> -> memref<1x200x128xi32, #tpu.memory_space<hbm>>
      %dma_start3A_502 = tpu.memref_squeeze %dma_start3A_501 : memref<1x200x128xi32, #tpu.memory_space<hbm>> -> memref<200x128xi32, #tpu.memory_space<hbm>>
      tpu.enqueue_dma source(%arg7 : memref<200x128xi32, #tpu.memory_space<vmem>>) target(%dma_start3A_502 : memref<200x128xi32, #tpu.memory_space<hbm>>) target_semaphore(%arg11 : memref<!tpu.dma_semaphore, #tpu.memory_space<semaphore_mem>>)
      %mul3A_503 = arith.constant 128 : i32
      %mul3A_504 = arith.muli %mul3A_503, %add3A : i32
      %gt3A_505 = arith.constant 0 : i32
      %gt3A_506 = arith.cmpi sgt, %scan3A_60, %gt3A_505 : i32
      %convert_element_type3A_507 = arith.extui %gt3A_506 : i1 to i32
      %cond3A_508 = arith.constant 0 : i32
      %cond3A_509 = arith.cmpi ne, %convert_element_type3A_507, %cond3A_508 : i32
      scf.if %cond3A_509 {
        %sub3A_654 = arith.constant 1 : i32
        %sub3A_655 = arith.subi %scan3A_60, %sub3A_654 : i32
        %mul3A_656 = arith.constant 128 : i32
        %mul3A_657 = arith.muli %mul3A_656, %add3A : i32
        %dma_wait3A_658 = arith.constant 600 : i32
        %dma_wait3A_659 = tpu.memref_slice %arg3[%sub3A_655, %dma_wait3A_658, %mul3A_657] : memref<50x805x4096xi32, #tpu.memory_space<hbm>> -> memref<1x205x128xi32, #tpu.memory_space<hbm>>
        %dma_wait3A_660 = tpu.memref_squeeze %dma_wait3A_659 : memref<1x205x128xi32, #tpu.memory_space<hbm>> -> memref<205x128xi32, #tpu.memory_space<hbm>>
        %dma_wait3A_661 = arith.constant 600 : i32
        %dma_wait3A_662 = tpu.memref_slice %arg3[%sub3A_655, %dma_wait3A_661, %mul3A_657] : memref<50x805x4096xi32, #tpu.memory_space<hbm>> -> memref<1x205x128xi32, #tpu.memory_space<hbm>>
        %dma_wait3A_663 = tpu.memref_squeeze %dma_wait3A_662 : memref<1x205x128xi32, #tpu.memory_space<hbm>> -> memref<205x128xi32, #tpu.memory_space<hbm>>
        tpu.wait_dma2 semaphore(%arg12 : memref<!tpu.dma_semaphore, #tpu.memory_space<semaphore_mem>>) src(%arg8 : memref<205x128xi32, #tpu.memory_space<vmem>>) dst(%dma_wait3A_663 : memref<205x128xi32, #tpu.memory_space<hbm>>)
        %sub3A_664 = arith.constant 1 : i32
        %sub3A_665 = arith.subi %scan3A_60, %sub3A_664 : i32
        %broadcast_in_dim3A_666 = arith.constant 0 : i32
        %broadcast_in_dim3A_667 = vector.broadcast %broadcast_in_dim3A_666 : i32 to vector<16xi32>
        %get3A_668 = arith.index_cast %sub3A_665 : i32 to index
        %get3A_669 = arith.constant 0 : index
        %get3A_670 = tpu.vector_load %arg4[%get3A_668, %get3A_669] {strides = array<i32>} : memref<50x128xi32, #tpu.memory_space<vmem>>, vector<16xi32>,
        %sub3A_671 = arith.constant 600 : i32
        %sub3A_672 = vector.broadcast %sub3A_671 : i32 to vector<16xi32>
        %sub3A_673 = arith.subi %get3A_670, %sub3A_672 : vector<16xi32>
        %iota3A_674 = tpu.iota {dimensions = array<i32: 0>} : vector<16xi32>
        %add3A_675 = arith.constant 0 : i32
        %add3A_676 = vector.broadcast %add3A_675 : i32 to vector<16xi32>
        %add3A_677 = arith.addi %iota3A_674, %add3A_676 : vector<16xi32>
        %ge3A_678 = arith.constant 600 : i32
        %ge3A_679 = vector.broadcast %ge3A_678 : i32 to vector<16xi32>
        %ge3A_680 = arith.cmpi sge, %get3A_670, %ge3A_679 : vector<16xi32>
        %lt3A_681 = arith.constant 805 : i32
        %lt3A_682 = vector.broadcast %lt3A_681 : i32 to vector<16xi32>
        %lt3A_683 = arith.cmpi slt, %get3A_670, %lt3A_682 : vector<16xi32>
        %and3A_684 = arith.andi %ge3A_680, %lt3A_683 : vector<16xi1>
        tpu.vector_store_idx %arg8[%sub3A_673, %add3A_677], %broadcast_in_dim3A_667 masked %and3A_684 : memref<205x128xi32, #tpu.memory_space<vmem>>[vector<16xi32>, vector<16xi32>], vector<16xi32>, vector<16xi1>
        %get3A_685 = arith.index_cast %sub3A_665 : i32 to index
        %get3A_686 = arith.constant 16 : index
        %get3A_687 = tpu.vector_load %arg4[%get3A_685, %get3A_686] {strides = array<i32>} : memref<50x128xi32, #tpu.memory_space<vmem>>, vector<16xi32>,
        %sub3A_688 = arith.constant 600 : i32
        %sub3A_689 = vector.broadcast %sub3A_688 : i32 to vector<16xi32>
        %sub3A_690 = arith.subi %get3A_687, %sub3A_689 : vector<16xi32>
        %iota3A_691 = tpu.iota {dimensions = array<i32: 0>} : vector<16xi32>
        %add3A_692 = arith.constant 16 : i32
        %add3A_693 = vector.broadcast %add3A_692 : i32 to vector<16xi32>
        %add3A_694 = arith.addi %iota3A_691, %add3A_693 : vector<16xi32>
        %ge3A_695 = arith.constant 600 : i32
        %ge3A_696 = vector.broadcast %ge3A_695 : i32 to vector<16xi32>
        %ge3A_697 = arith.cmpi sge, %get3A_687, %ge3A_696 : vector<16xi32>
        %lt3A_698 = arith.constant 805 : i32
        %lt3A_699 = vector.broadcast %lt3A_698 : i32 to vector<16xi32>
        %lt3A_700 = arith.cmpi slt, %get3A_687, %lt3A_699 : vector<16xi32>
        %and3A_701 = arith.andi %ge3A_697, %lt3A_700 : vector<16xi1>
        tpu.vector_store_idx %arg8[%sub3A_690, %add3A_694], %broadcast_in_dim3A_667 masked %and3A_701 : memref<205x128xi32, #tpu.memory_space<vmem>>[vector<16xi32>, vector<16xi32>], vector<16xi32>, vector<16xi1>
        %get3A_702 = arith.index_cast %sub3A_665 : i32 to index
        %get3A_703 = arith.constant 32 : index
        %get3A_704 = tpu.vector_load %arg4[%get3A_702, %get3A_703] {strides = array<i32>} : memref<50x128xi32, #tpu.memory_space<vmem>>, vector<16xi32>,
        %sub3A_705 = arith.constant 600 : i32
        %sub3A_706 = vector.broadcast %sub3A_705 : i32 to vector<16xi32>
        %sub3A_707 = arith.subi %get3A_704, %sub3A_706 : vector<16xi32>
        %iota3A_708 = tpu.iota {dimensions = array<i32: 0>} : vector<16xi32>
        %add3A_709 = arith.constant 32 : i32
        %add3A_710 = vector.broadcast %add3A_709 : i32 to vector<16xi32>
        %add3A_711 = arith.addi %iota3A_708, %add3A_710 : vector<16xi32>
        %ge3A_712 = arith.constant 600 : i32
        %ge3A_713 = vector.broadcast %ge3A_712 : i32 to vector<16xi32>
        %ge3A_714 = arith.cmpi sge, %get3A_704, %ge3A_713 : vector<16xi32>
        %lt3A_715 = arith.constant 805 : i32
        %lt3A_716 = vector.broadcast %lt3A_715 : i32 to vector<16xi32>
        %lt3A_717 = arith.cmpi slt, %get3A_704, %lt3A_716 : vector<16xi32>
        %and3A_718 = arith.andi %ge3A_714, %lt3A_717 : vector<16xi1>
        tpu.vector_store_idx %arg8[%sub3A_707, %add3A_711], %broadcast_in_dim3A_667 masked %and3A_718 : memref<205x128xi32, #tpu.memory_space<vmem>>[vector<16xi32>, vector<16xi32>], vector<16xi32>, vector<16xi1>
        %get3A_719 = arith.index_cast %sub3A_665 : i32 to index
        %get3A_720 = arith.constant 48 : index
        %get3A_721 = tpu.vector_load %arg4[%get3A_719, %get3A_720] {strides = array<i32>} : memref<50x128xi32, #tpu.memory_space<vmem>>, vector<16xi32>,
        %sub3A_722 = arith.constant 600 : i32
        %sub3A_723 = vector.broadcast %sub3A_722 : i32 to vector<16xi32>
        %sub3A_724 = arith.subi %get3A_721, %sub3A_723 : vector<16xi32>
        %iota3A_725 = tpu.iota {dimensions = array<i32: 0>} : vector<16xi32>
        %add3A_726 = arith.constant 48 : i32
        %add3A_727 = vector.broadcast %add3A_726 : i32 to vector<16xi32>
        %add3A_728 = arith.addi %iota3A_725, %add3A_727 : vector<16xi32>
        %ge3A_729 = arith.constant 600 : i32
        %ge3A_730 = vector.broadcast %ge3A_729 : i32 to vector<16xi32>
        %ge3A_731 = arith.cmpi sge, %get3A_721, %ge3A_730 : vector<16xi32>
        %lt3A_732 = arith.constant 805 : i32
        %lt3A_733 = vector.broadcast %lt3A_732 : i32 to vector<16xi32>
        %lt3A_734 = arith.cmpi slt, %get3A_721, %lt3A_733 : vector<16xi32>
        %and3A_735 = arith.andi %ge3A_731, %lt3A_734 : vector<16xi1>
        tpu.vector_store_idx %arg8[%sub3A_724, %add3A_728], %broadcast_in_dim3A_667 masked %and3A_735 : memref<205x128xi32, #tpu.memory_space<vmem>>[vector<16xi32>, vector<16xi32>], vector<16xi32>, vector<16xi1>
        %get3A_736 = arith.index_cast %sub3A_665 : i32 to index
        %get3A_737 = arith.constant 64 : index
        %get3A_738 = tpu.vector_load %arg4[%get3A_736, %get3A_737] {strides = array<i32>} : memref<50x128xi32, #tpu.memory_space<vmem>>, vector<16xi32>,
        %sub3A_739 = arith.constant 600 : i32
        %sub3A_740 = vector.broadcast %sub3A_739 : i32 to vector<16xi32>
        %sub3A_741 = arith.subi %get3A_738, %sub3A_740 : vector<16xi32>
        %iota3A_742 = tpu.iota {dimensions = array<i32: 0>} : vector<16xi32>
        %add3A_743 = arith.constant 64 : i32
        %add3A_744 = vector.broadcast %add3A_743 : i32 to vector<16xi32>
        %add3A_745 = arith.addi %iota3A_742, %add3A_744 : vector<16xi32>
        %ge3A_746 = arith.constant 600 : i32
        %ge3A_747 = vector.broadcast %ge3A_746 : i32 to vector<16xi32>
        %ge3A_748 = arith.cmpi sge, %get3A_738, %ge3A_747 : vector<16xi32>
        %lt3A_749 = arith.constant 805 : i32
        %lt3A_750 = vector.broadcast %lt3A_749 : i32 to vector<16xi32>
        %lt3A_751 = arith.cmpi slt, %get3A_738, %lt3A_750 : vector<16xi32>
        %and3A_752 = arith.andi %ge3A_748, %lt3A_751 : vector<16xi1>
        tpu.vector_store_idx %arg8[%sub3A_741, %add3A_745], %broadcast_in_dim3A_667 masked %and3A_752 : memref<205x128xi32, #tpu.memory_space<vmem>>[vector<16xi32>, vector<16xi32>], vector<16xi32>, vector<16xi1>
        %get3A_753 = arith.index_cast %sub3A_665 : i32 to index
        %get3A_754 = arith.constant 80 : index
        %get3A_755 = tpu.vector_load %arg4[%get3A_753, %get3A_754] {strides = array<i32>} : memref<50x128xi32, #tpu.memory_space<vmem>>, vector<16xi32>,
        %sub3A_756 = arith.constant 600 : i32
        %sub3A_757 = vector.broadcast %sub3A_756 : i32 to vector<16xi32>
        %sub3A_758 = arith.subi %get3A_755, %sub3A_757 : vector<16xi32>
        %iota3A_759 = tpu.iota {dimensions = array<i32: 0>} : vector<16xi32>
        %add3A_760 = arith.constant 80 : i32
        %add3A_761 = vector.broadcast %add3A_760 : i32 to vector<16xi32>
        %add3A_762 = arith.addi %iota3A_759, %add3A_761 : vector<16xi32>
        %ge3A_763 = arith.constant 600 : i32
        %ge3A_764 = vector.broadcast %ge3A_763 : i32 to vector<16xi32>
        %ge3A_765 = arith.cmpi sge, %get3A_755, %ge3A_764 : vector<16xi32>
        %lt3A_766 = arith.constant 805 : i32
        %lt3A_767 = vector.broadcast %lt3A_766 : i32 to vector<16xi32>
        %lt3A_768 = arith.cmpi slt, %get3A_755, %lt3A_767 : vector<16xi32>
        %and3A_769 = arith.andi %ge3A_765, %lt3A_768 : vector<16xi1>
        tpu.vector_store_idx %arg8[%sub3A_758, %add3A_762], %broadcast_in_dim3A_667 masked %and3A_769 : memref<205x128xi32, #tpu.memory_space<vmem>>[vector<16xi32>, vector<16xi32>], vector<16xi32>, vector<16xi1>
        %get3A_770 = arith.index_cast %sub3A_665 : i32 to index
        %get3A_771 = arith.constant 96 : index
        %get3A_772 = tpu.vector_load %arg4[%get3A_770, %get3A_771] {strides = array<i32>} : memref<50x128xi32, #tpu.memory_space<vmem>>, vector<16xi32>,
        %sub3A_773 = arith.constant 600 : i32
        %sub3A_774 = vector.broadcast %sub3A_773 : i32 to vector<16xi32>
        %sub3A_775 = arith.subi %get3A_772, %sub3A_774 : vector<16xi32>
        %iota3A_776 = tpu.iota {dimensions = array<i32: 0>} : vector<16xi32>
        %add3A_777 = arith.constant 96 : i32
        %add3A_778 = vector.broadcast %add3A_777 : i32 to vector<16xi32>
        %add3A_779 = arith.addi %iota3A_776, %add3A_778 : vector<16xi32>
        %ge3A_780 = arith.constant 600 : i32
        %ge3A_781 = vector.broadcast %ge3A_780 : i32 to vector<16xi32>
        %ge3A_782 = arith.cmpi sge, %get3A_772, %ge3A_781 : vector<16xi32>
        %lt3A_783 = arith.constant 805 : i32
        %lt3A_784 = vector.broadcast %lt3A_783 : i32 to vector<16xi32>
        %lt3A_785 = arith.cmpi slt, %get3A_772, %lt3A_784 : vector<16xi32>
        %and3A_786 = arith.andi %ge3A_782, %lt3A_785 : vector<16xi1>
        tpu.vector_store_idx %arg8[%sub3A_775, %add3A_779], %broadcast_in_dim3A_667 masked %and3A_786 : memref<205x128xi32, #tpu.memory_space<vmem>>[vector<16xi32>, vector<16xi32>], vector<16xi32>, vector<16xi1>
        %get3A_787 = arith.index_cast %sub3A_665 : i32 to index
        %get3A_788 = arith.constant 112 : index
        %get3A_789 = tpu.vector_load %arg4[%get3A_787, %get3A_788] {strides = array<i32>} : memref<50x128xi32, #tpu.memory_space<vmem>>, vector<16xi32>,
        %sub3A_790 = arith.constant 600 : i32
        %sub3A_791 = vector.broadcast %sub3A_790 : i32 to vector<16xi32>
        %sub3A_792 = arith.subi %get3A_789, %sub3A_791 : vector<16xi32>
        %iota3A_793 = tpu.iota {dimensions = array<i32: 0>} : vector<16xi32>
        %add3A_794 = arith.constant 112 : i32
        %add3A_795 = vector.broadcast %add3A_794 : i32 to vector<16xi32>
        %add3A_796 = arith.addi %iota3A_793, %add3A_795 : vector<16xi32>
        %ge3A_797 = arith.constant 600 : i32
        %ge3A_798 = vector.broadcast %ge3A_797 : i32 to vector<16xi32>
        %ge3A_799 = arith.cmpi sge, %get3A_789, %ge3A_798 : vector<16xi32>
        %lt3A_800 = arith.constant 805 : i32
        %lt3A_801 = vector.broadcast %lt3A_800 : i32 to vector<16xi32>
        %lt3A_802 = arith.cmpi slt, %get3A_789, %lt3A_801 : vector<16xi32>
        %and3A_803 = arith.andi %ge3A_799, %lt3A_802 : vector<16xi1>
        tpu.vector_store_idx %arg8[%sub3A_792, %add3A_796], %broadcast_in_dim3A_667 masked %and3A_803 : memref<205x128xi32, #tpu.memory_space<vmem>>[vector<16xi32>, vector<16xi32>], vector<16xi32>, vector<16xi1>
      } else {
      }
      %broadcast_in_dim3A_510 = arith.constant 1 : i32
      %broadcast_in_dim3A_511 = vector.broadcast %broadcast_in_dim3A_510 : i32 to vector<16xi32>
      %get3A_512 = arith.index_cast %scan3A_60 : i32 to index
      %get3A_513 = arith.constant 0 : index
      %get3A_514 = tpu.vector_load %arg4[%get3A_512, %get3A_513] {strides = array<i32>} : memref<50x128xi32, #tpu.memory_space<vmem>>, vector<16xi32>,
      %sub3A_515 = arith.constant 600 : i32
      %sub3A_516 = vector.broadcast %sub3A_515 : i32 to vector<16xi32>
      %sub3A_517 = arith.subi %get3A_514, %sub3A_516 : vector<16xi32>
      %iota3A_518 = tpu.iota {dimensions = array<i32: 0>} : vector<16xi32>
      %add3A_519 = arith.constant 0 : i32
      %add3A_520 = vector.broadcast %add3A_519 : i32 to vector<16xi32>
      %add3A_521 = arith.addi %iota3A_518, %add3A_520 : vector<16xi32>
      %ge3A_522 = arith.constant 600 : i32
      %ge3A_523 = vector.broadcast %ge3A_522 : i32 to vector<16xi32>
      %ge3A_524 = arith.cmpi sge, %get3A_514, %ge3A_523 : vector<16xi32>
      %lt3A_525 = arith.constant 805 : i32
      %lt3A_526 = vector.broadcast %lt3A_525 : i32 to vector<16xi32>
      %lt3A_527 = arith.cmpi slt, %get3A_514, %lt3A_526 : vector<16xi32>
      %and3A_528 = arith.andi %ge3A_524, %lt3A_527 : vector<16xi1>
      tpu.vector_store_idx %arg8[%sub3A_517, %add3A_521], %broadcast_in_dim3A_511 masked %and3A_528 : memref<205x128xi32, #tpu.memory_space<vmem>>[vector<16xi32>, vector<16xi32>], vector<16xi32>, vector<16xi1>
      %get3A_529 = arith.index_cast %scan3A_60 : i32 to index
      %get3A_530 = arith.constant 16 : index
      %get3A_531 = tpu.vector_load %arg4[%get3A_529, %get3A_530] {strides = array<i32>} : memref<50x128xi32, #tpu.memory_space<vmem>>, vector<16xi32>,
      %sub3A_532 = arith.constant 600 : i32
      %sub3A_533 = vector.broadcast %sub3A_532 : i32 to vector<16xi32>
      %sub3A_534 = arith.subi %get3A_531, %sub3A_533 : vector<16xi32>
      %iota3A_535 = tpu.iota {dimensions = array<i32: 0>} : vector<16xi32>
      %add3A_536 = arith.constant 16 : i32
      %add3A_537 = vector.broadcast %add3A_536 : i32 to vector<16xi32>
      %add3A_538 = arith.addi %iota3A_535, %add3A_537 : vector<16xi32>
      %ge3A_539 = arith.constant 600 : i32
      %ge3A_540 = vector.broadcast %ge3A_539 : i32 to vector<16xi32>
      %ge3A_541 = arith.cmpi sge, %get3A_531, %ge3A_540 : vector<16xi32>
      %lt3A_542 = arith.constant 805 : i32
      %lt3A_543 = vector.broadcast %lt3A_542 : i32 to vector<16xi32>
      %lt3A_544 = arith.cmpi slt, %get3A_531, %lt3A_543 : vector<16xi32>
      %and3A_545 = arith.andi %ge3A_541, %lt3A_544 : vector<16xi1>
      tpu.vector_store_idx %arg8[%sub3A_534, %add3A_538], %broadcast_in_dim3A_511 masked %and3A_545 : memref<205x128xi32, #tpu.memory_space<vmem>>[vector<16xi32>, vector<16xi32>], vector<16xi32>, vector<16xi1>
      %get3A_546 = arith.index_cast %scan3A_60 : i32 to index
      %get3A_547 = arith.constant 32 : index
      %get3A_548 = tpu.vector_load %arg4[%get3A_546, %get3A_547] {strides = array<i32>} : memref<50x128xi32, #tpu.memory_space<vmem>>, vector<16xi32>,
      %sub3A_549 = arith.constant 600 : i32
      %sub3A_550 = vector.broadcast %sub3A_549 : i32 to vector<16xi32>
      %sub3A_551 = arith.subi %get3A_548, %sub3A_550 : vector<16xi32>
      %iota3A_552 = tpu.iota {dimensions = array<i32: 0>} : vector<16xi32>
      %add3A_553 = arith.constant 32 : i32
      %add3A_554 = vector.broadcast %add3A_553 : i32 to vector<16xi32>
      %add3A_555 = arith.addi %iota3A_552, %add3A_554 : vector<16xi32>
      %ge3A_556 = arith.constant 600 : i32
      %ge3A_557 = vector.broadcast %ge3A_556 : i32 to vector<16xi32>
      %ge3A_558 = arith.cmpi sge, %get3A_548, %ge3A_557 : vector<16xi32>
      %lt3A_559 = arith.constant 805 : i32
      %lt3A_560 = vector.broadcast %lt3A_559 : i32 to vector<16xi32>
      %lt3A_561 = arith.cmpi slt, %get3A_548, %lt3A_560 : vector<16xi32>
      %and3A_562 = arith.andi %ge3A_558, %lt3A_561 : vector<16xi1>
      tpu.vector_store_idx %arg8[%sub3A_551, %add3A_555], %broadcast_in_dim3A_511 masked %and3A_562 : memref<205x128xi32, #tpu.memory_space<vmem>>[vector<16xi32>, vector<16xi32>], vector<16xi32>, vector<16xi1>
      %get3A_563 = arith.index_cast %scan3A_60 : i32 to index
      %get3A_564 = arith.constant 48 : index
      %get3A_565 = tpu.vector_load %arg4[%get3A_563, %get3A_564] {strides = array<i32>} : memref<50x128xi32, #tpu.memory_space<vmem>>, vector<16xi32>,
      %sub3A_566 = arith.constant 600 : i32
      %sub3A_567 = vector.broadcast %sub3A_566 : i32 to vector<16xi32>
      %sub3A_568 = arith.subi %get3A_565, %sub3A_567 : vector<16xi32>
      %iota3A_569 = tpu.iota {dimensions = array<i32: 0>} : vector<16xi32>
      %add3A_570 = arith.constant 48 : i32
      %add3A_571 = vector.broadcast %add3A_570 : i32 to vector<16xi32>
      %add3A_572 = arith.addi %iota3A_569, %add3A_571 : vector<16xi32>
      %ge3A_573 = arith.constant 600 : i32
      %ge3A_574 = vector.broadcast %ge3A_573 : i32 to vector<16xi32>
      %ge3A_575 = arith.cmpi sge, %get3A_565, %ge3A_574 : vector<16xi32>
      %lt3A_576 = arith.constant 805 : i32
      %lt3A_577 = vector.broadcast %lt3A_576 : i32 to vector<16xi32>
      %lt3A_578 = arith.cmpi slt, %get3A_565, %lt3A_577 : vector<16xi32>
      %and3A_579 = arith.andi %ge3A_575, %lt3A_578 : vector<16xi1>
      tpu.vector_store_idx %arg8[%sub3A_568, %add3A_572], %broadcast_in_dim3A_511 masked %and3A_579 : memref<205x128xi32, #tpu.memory_space<vmem>>[vector<16xi32>, vector<16xi32>], vector<16xi32>, vector<16xi1>
      %get3A_580 = arith.index_cast %scan3A_60 : i32 to index
      %get3A_581 = arith.constant 64 : index
      %get3A_582 = tpu.vector_load %arg4[%get3A_580, %get3A_581] {strides = array<i32>} : memref<50x128xi32, #tpu.memory_space<vmem>>, vector<16xi32>,
      %sub3A_583 = arith.constant 600 : i32
      %sub3A_584 = vector.broadcast %sub3A_583 : i32 to vector<16xi32>
      %sub3A_585 = arith.subi %get3A_582, %sub3A_584 : vector<16xi32>
      %iota3A_586 = tpu.iota {dimensions = array<i32: 0>} : vector<16xi32>
      %add3A_587 = arith.constant 64 : i32
      %add3A_588 = vector.broadcast %add3A_587 : i32 to vector<16xi32>
      %add3A_589 = arith.addi %iota3A_586, %add3A_588 : vector<16xi32>
      %ge3A_590 = arith.constant 600 : i32
      %ge3A_591 = vector.broadcast %ge3A_590 : i32 to vector<16xi32>
      %ge3A_592 = arith.cmpi sge, %get3A_582, %ge3A_591 : vector<16xi32>
      %lt3A_593 = arith.constant 805 : i32
      %lt3A_594 = vector.broadcast %lt3A_593 : i32 to vector<16xi32>
      %lt3A_595 = arith.cmpi slt, %get3A_582, %lt3A_594 : vector<16xi32>
      %and3A_596 = arith.andi %ge3A_592, %lt3A_595 : vector<16xi1>
      tpu.vector_store_idx %arg8[%sub3A_585, %add3A_589], %broadcast_in_dim3A_511 masked %and3A_596 : memref<205x128xi32, #tpu.memory_space<vmem>>[vector<16xi32>, vector<16xi32>], vector<16xi32>, vector<16xi1>
      %get3A_597 = arith.index_cast %scan3A_60 : i32 to index
      %get3A_598 = arith.constant 80 : index
      %get3A_599 = tpu.vector_load %arg4[%get3A_597, %get3A_598] {strides = array<i32>} : memref<50x128xi32, #tpu.memory_space<vmem>>, vector<16xi32>,
      %sub3A_600 = arith.constant 600 : i32
      %sub3A_601 = vector.broadcast %sub3A_600 : i32 to vector<16xi32>
      %sub3A_602 = arith.subi %get3A_599, %sub3A_601 : vector<16xi32>
      %iota3A_603 = tpu.iota {dimensions = array<i32: 0>} : vector<16xi32>
      %add3A_604 = arith.constant 80 : i32
      %add3A_605 = vector.broadcast %add3A_604 : i32 to vector<16xi32>
      %add3A_606 = arith.addi %iota3A_603, %add3A_605 : vector<16xi32>
      %ge3A_607 = arith.constant 600 : i32
      %ge3A_608 = vector.broadcast %ge3A_607 : i32 to vector<16xi32>
      %ge3A_609 = arith.cmpi sge, %get3A_599, %ge3A_608 : vector<16xi32>
      %lt3A_610 = arith.constant 805 : i32
      %lt3A_611 = vector.broadcast %lt3A_610 : i32 to vector<16xi32>
      %lt3A_612 = arith.cmpi slt, %get3A_599, %lt3A_611 : vector<16xi32>
      %and3A_613 = arith.andi %ge3A_609, %lt3A_612 : vector<16xi1>
      tpu.vector_store_idx %arg8[%sub3A_602, %add3A_606], %broadcast_in_dim3A_511 masked %and3A_613 : memref<205x128xi32, #tpu.memory_space<vmem>>[vector<16xi32>, vector<16xi32>], vector<16xi32>, vector<16xi1>
      %get3A_614 = arith.index_cast %scan3A_60 : i32 to index
      %get3A_615 = arith.constant 96 : index
      %get3A_616 = tpu.vector_load %arg4[%get3A_614, %get3A_615] {strides = array<i32>} : memref<50x128xi32, #tpu.memory_space<vmem>>, vector<16xi32>,
      %sub3A_617 = arith.constant 600 : i32
      %sub3A_618 = vector.broadcast %sub3A_617 : i32 to vector<16xi32>
      %sub3A_619 = arith.subi %get3A_616, %sub3A_618 : vector<16xi32>
      %iota3A_620 = tpu.iota {dimensions = array<i32: 0>} : vector<16xi32>
      %add3A_621 = arith.constant 96 : i32
      %add3A_622 = vector.broadcast %add3A_621 : i32 to vector<16xi32>
      %add3A_623 = arith.addi %iota3A_620, %add3A_622 : vector<16xi32>
      %ge3A_624 = arith.constant 600 : i32
      %ge3A_625 = vector.broadcast %ge3A_624 : i32 to vector<16xi32>
      %ge3A_626 = arith.cmpi sge, %get3A_616, %ge3A_625 : vector<16xi32>
      %lt3A_627 = arith.constant 805 : i32
      %lt3A_628 = vector.broadcast %lt3A_627 : i32 to vector<16xi32>
      %lt3A_629 = arith.cmpi slt, %get3A_616, %lt3A_628 : vector<16xi32>
      %and3A_630 = arith.andi %ge3A_626, %lt3A_629 : vector<16xi1>
      tpu.vector_store_idx %arg8[%sub3A_619, %add3A_623], %broadcast_in_dim3A_511 masked %and3A_630 : memref<205x128xi32, #tpu.memory_space<vmem>>[vector<16xi32>, vector<16xi32>], vector<16xi32>, vector<16xi1>
      %get3A_631 = arith.index_cast %scan3A_60 : i32 to index
      %get3A_632 = arith.constant 112 : index
      %get3A_633 = tpu.vector_load %arg4[%get3A_631, %get3A_632] {strides = array<i32>} : memref<50x128xi32, #tpu.memory_space<vmem>>, vector<16xi32>,
      %sub3A_634 = arith.constant 600 : i32
      %sub3A_635 = vector.broadcast %sub3A_634 : i32 to vector<16xi32>
      %sub3A_636 = arith.subi %get3A_633, %sub3A_635 : vector<16xi32>
      %iota3A_637 = tpu.iota {dimensions = array<i32: 0>} : vector<16xi32>
      %add3A_638 = arith.constant 112 : i32
      %add3A_639 = vector.broadcast %add3A_638 : i32 to vector<16xi32>
      %add3A_640 = arith.addi %iota3A_637, %add3A_639 : vector<16xi32>
      %ge3A_641 = arith.constant 600 : i32
      %ge3A_642 = vector.broadcast %ge3A_641 : i32 to vector<16xi32>
      %ge3A_643 = arith.cmpi sge, %get3A_633, %ge3A_642 : vector<16xi32>
      %lt3A_644 = arith.constant 805 : i32
      %lt3A_645 = vector.broadcast %lt3A_644 : i32 to vector<16xi32>
      %lt3A_646 = arith.cmpi slt, %get3A_633, %lt3A_645 : vector<16xi32>
      %and3A_647 = arith.andi %ge3A_643, %lt3A_646 : vector<16xi1>
      tpu.vector_store_idx %arg8[%sub3A_636, %add3A_640], %broadcast_in_dim3A_511 masked %and3A_647 : memref<205x128xi32, #tpu.memory_space<vmem>>[vector<16xi32>, vector<16xi32>], vector<16xi32>, vector<16xi1>
      %dma_start3A_648 = arith.constant 600 : i32
      %dma_start3A_649 = tpu.memref_slice %arg3[%scan3A_60, %dma_start3A_648, %mul3A_504] : memref<50x805x4096xi32, #tpu.memory_space<hbm>> -> memref<1x205x128xi32, #tpu.memory_space<hbm>>
      %dma_start3A_650 = tpu.memref_squeeze %dma_start3A_649 : memref<1x205x128xi32, #tpu.memory_space<hbm>> -> memref<205x128xi32, #tpu.memory_space<hbm>>
      %dma_start3A_651 = arith.constant 600 : i32
      %dma_start3A_652 = tpu.memref_slice %arg3[%scan3A_60, %dma_start3A_651, %mul3A_504] : memref<50x805x4096xi32, #tpu.memory_space<hbm>> -> memref<1x205x128xi32, #tpu.memory_space<hbm>>
      %dma_start3A_653 = tpu.memref_squeeze %dma_start3A_652 : memref<1x205x128xi32, #tpu.memory_space<hbm>> -> memref<205x128xi32, #tpu.memory_space<hbm>>
      tpu.enqueue_dma source(%arg8 : memref<205x128xi32, #tpu.memory_space<vmem>>) target(%dma_start3A_653 : memref<205x128xi32, #tpu.memory_space<hbm>>) target_semaphore(%arg12 : memref<!tpu.dma_semaphore, #tpu.memory_space<semaphore_mem>>)
    }
    %scan3A_24 = arith.constant 50 : i32
    %mul3A_25 = arith.constant 128 : i32
    %mul3A_26 = arith.muli %mul3A_25, %add3A : i32
    %dma_wait3A = arith.constant 49 : i32
    %dma_wait3A_27 = arith.constant 0 : i32
    %dma_wait3A_28 = tpu.memref_slice %arg3[%dma_wait3A, %dma_wait3A_27, %mul3A_26] : memref<50x805x4096xi32, #tpu.memory_space<hbm>> -> memref<1x200x128xi32, #tpu.memory_space<hbm>>
    %dma_wait3A_29 = tpu.memref_squeeze %dma_wait3A_28 : memref<1x200x128xi32, #tpu.memory_space<hbm>> -> memref<200x128xi32, #tpu.memory_space<hbm>>
    %dma_wait3A_30 = arith.constant 0 : i32
    %dma_wait3A_31 = tpu.memref_slice %arg3[%dma_wait3A, %dma_wait3A_30, %mul3A_26] : memref<50x805x4096xi32, #tpu.memory_space<hbm>> -> memref<1x200x128xi32, #tpu.memory_space<hbm>>
    %dma_wait3A_32 = tpu.memref_squeeze %dma_wait3A_31 : memref<1x200x128xi32, #tpu.memory_space<hbm>> -> memref<200x128xi32, #tpu.memory_space<hbm>>
    tpu.wait_dma2 semaphore(%arg9 : memref<!tpu.dma_semaphore, #tpu.memory_space<semaphore_mem>>) src(%arg5 : memref<200x128xi32, #tpu.memory_space<vmem>>) dst(%dma_wait3A_32 : memref<200x128xi32, #tpu.memory_space<hbm>>)
    %mul3A_33 = arith.constant 128 : i32
    %mul3A_34 = arith.muli %mul3A_33, %add3A : i32
    %dma_wait3A_35 = arith.constant 49 : i32
    %dma_wait3A_36 = arith.constant 200 : i32
    %dma_wait3A_37 = tpu.memref_slice %arg3[%dma_wait3A_35, %dma_wait3A_36, %mul3A_34] : memref<50x805x4096xi32, #tpu.memory_space<hbm>> -> memref<1x200x128xi32, #tpu.memory_space<hbm>>
    %dma_wait3A_38 = tpu.memref_squeeze %dma_wait3A_37 : memref<1x200x128xi32, #tpu.memory_space<hbm>> -> memref<200x128xi32, #tpu.memory_space<hbm>>
    %dma_wait3A_39 = arith.constant 200 : i32
    %dma_wait3A_40 = tpu.memref_slice %arg3[%dma_wait3A_35, %dma_wait3A_39, %mul3A_34] : memref<50x805x4096xi32, #tpu.memory_space<hbm>> -> memref<1x200x128xi32, #tpu.memory_space<hbm>>
    %dma_wait3A_41 = tpu.memref_squeeze %dma_wait3A_40 : memref<1x200x128xi32, #tpu.memory_space<hbm>> -> memref<200x128xi32, #tpu.memory_space<hbm>>
    tpu.wait_dma2 semaphore(%arg10 : memref<!tpu.dma_semaphore, #tpu.memory_space<semaphore_mem>>) src(%arg6 : memref<200x128xi32, #tpu.memory_space<vmem>>) dst(%dma_wait3A_41 : memref<200x128xi32, #tpu.memory_space<hbm>>)
    %mul3A_42 = arith.constant 128 : i32
    %mul3A_43 = arith.muli %mul3A_42, %add3A : i32
    %dma_wait3A_44 = arith.constant 49 : i32
    %dma_wait3A_45 = arith.constant 400 : i32
    %dma_wait3A_46 = tpu.memref_slice %arg3[%dma_wait3A_44, %dma_wait3A_45, %mul3A_43] : memref<50x805x4096xi32, #tpu.memory_space<hbm>> -> memref<1x200x128xi32, #tpu.memory_space<hbm>>
    %dma_wait3A_47 = tpu.memref_squeeze %dma_wait3A_46 : memref<1x200x128xi32, #tpu.memory_space<hbm>> -> memref<200x128xi32, #tpu.memory_space<hbm>>
    %dma_wait3A_48 = arith.constant 400 : i32
    %dma_wait3A_49 = tpu.memref_slice %arg3[%dma_wait3A_44, %dma_wait3A_48, %mul3A_43] : memref<50x805x4096xi32, #tpu.memory_space<hbm>> -> memref<1x200x128xi32, #tpu.memory_space<hbm>>
    %dma_wait3A_50 = tpu.memref_squeeze %dma_wait3A_49 : memref<1x200x128xi32, #tpu.memory_space<hbm>> -> memref<200x128xi32, #tpu.memory_space<hbm>>
    tpu.wait_dma2 semaphore(%arg11 : memref<!tpu.dma_semaphore, #tpu.memory_space<semaphore_mem>>) src(%arg7 : memref<200x128xi32, #tpu.memory_space<vmem>>) dst(%dma_wait3A_50 : memref<200x128xi32, #tpu.memory_space<hbm>>)
    %mul3A_51 = arith.constant 128 : i32
    %mul3A_52 = arith.muli %mul3A_51, %add3A : i32
    %dma_wait3A_53 = arith.constant 49 : i32
    %dma_wait3A_54 = arith.constant 600 : i32
    %dma_wait3A_55 = tpu.memref_slice %arg3[%dma_wait3A_53, %dma_wait3A_54, %mul3A_52] : memref<50x805x4096xi32, #tpu.memory_space<hbm>> -> memref<1x205x128xi32, #tpu.memory_space<hbm>>
    %dma_wait3A_56 = tpu.memref_squeeze %dma_wait3A_55 : memref<1x205x128xi32, #tpu.memory_space<hbm>> -> memref<205x128xi32, #tpu.memory_space<hbm>>
    %dma_wait3A_57 = arith.constant 600 : i32
    %dma_wait3A_58 = tpu.memref_slice %arg3[%dma_wait3A_53, %dma_wait3A_57, %mul3A_52] : memref<50x805x4096xi32, #tpu.memory_space<hbm>> -> memref<1x205x128xi32, #tpu.memory_space<hbm>>
    %dma_wait3A_59 = tpu.memref_squeeze %dma_wait3A_58 : memref<1x205x128xi32, #tpu.memory_space<hbm>> -> memref<205x128xi32, #tpu.memory_space<hbm>>
    tpu.wait_dma2 semaphore(%arg12 : memref<!tpu.dma_semaphore, #tpu.memory_space<semaphore_mem>>) src(%arg8 : memref<205x128xi32, #tpu.memory_space<vmem>>) dst(%dma_wait3A_59 : memref<205x128xi32, #tpu.memory_space<hbm>>)
    return
  }
}

</mosaic_0001>

<sc_bundles>
// kernel: kernel.3.cloned.1.call-start
scs
__scs_entry_jumppad:
0x0: {  	(pc) =	sbr.rel $0x88, $3  }
0x1: {  	(tag) =	ssettag $0x0;
	lr =	simm.s32 $0x1  }
0x2: {  	[smem:$0x3FA0] =	sst lr;
	_ =	strace $0xD0000000  }
0x3: {  	_ = 	snop  }
0x4: {  	_ = 	snop  }
0x5: {  	_ = 	snop  }
0x6: {  	_ = 	snop  }
0x7: {  	_ = 	snop  }
__scs_overlays_trampoline_lowered:
0x8: {  	[smem:$0x3FAF] =	sst s0  }
0x9: {  	[smem:$0x3FB0] =	sst s1  }
0xa: {  	[smem:$0x3FB1] =	sst s2  }
0xb: {  	[smem:$0x3FB2] =	sst s3  }
0xc: {  	[smem:$0x3FB3] =	sst s4  }
0xd: {  	[smem:$0x3FB4] =	sst s5  }
0xe: {  	[smem:$0x3FB5] =	sst s6  }
0xf: {  	[smem:$0x3FB6] =	sst s7  }
0x10: {  	[smem:$0x3FB7] =	sst s8  }
0x11: {  	[smem:$0x3FB8] =	sst s9;
	s0 =	simm.s32 @!p0 $0x0  }
0x12: {  	s1 =	sld [smem:$0x3F9E];
	s0 =	simm.s32 @p0 $0x1  }
0x13: {  	[smem:$0x3FB9] =	sst s0;
	s0 =	simm.s32 @!p1 $0x0  }
0x14: {  	s2 =	sld [smem:$0x3F9D];
	s0 =	simm.s32 @p1 $0x1  }
0x15: {  	[smem:$0x3FBA] =	sst s0;
	s0 =	simm.s32 @!p2 $0x0  }
0x16: {  	s3 =	sld [smem:$0x3FDB];
	s0 =	simm.s32 @p2 $0x1  }
0x17: {  	s4 =	simm.s32 $0x1BF5;
	[smem:$0x3FBC] =	sst s0  }
0x18: {  	s0 =	sld [smem:$0x3F9F];
	_ =	swait.ge [sflag:s4], $0x0  }
0x19: {  	s7 =	sld [smem:$0x3FA0]  }
0x1a: {  	s8 =	sadd.s32 $0xFFFFE003, lr  }
0x1b: {  	s9 =	sadd.s32 $0xFFFFFEF7, lr;
	s5 =	simm.s32 $0xFFFFFFFF;
	p2 =	slt.u32 s8, $0xFFFFF086  }
0x1c: {  	p1 =	slt.u32 s9, $0xF7A;
	s5 =	simm.s32 @!p2 $0x0  }
0x1d: {  	s5 =	simm.s32 @p1 $0x1;
	p0 =	seq.s32 s7, s2  }
0x1e: {  	s7 =	smul.u32 @!p0 $0xF7A, s2;
	p2 =	seq.s32 @!p0 s5, $0x0  }
0x1f: {  	s9 =	smul.u32 $0xF7A, s1;
	s8 =	simm.s32 @!p0 $0x1BF5;
	p2 =	por !p2, p0  }
0x20: {  	[sflag:s8] =	ssyncset.s32 @!p0 $0xFFFFF086;
	s6 =	sadd.s32 @!p0 s3, s7;
	s7 =	simm.s32 @!p0 $0x108  }
0x21: {  	s3 =	sadd.s32 s3, s9;
	s6 =	sadd.s32 @!p0 $0x88, s6;
	s7 =	simm.s32 @p2 $0x1082  }
0x22: {  	[simem:s7], [sflag:s8] =	dma.local @!p0 [hbm:s6], $0xF7A  }
0x23: {  	s9 =	sor.u32 $0xD0000000, s2;
	s6 =	simm.s32 $0x108;
	_ =	swait.ge @!p0 [sflag:s8], $0x0  }
0x24: {  	s3 =	sadd.s32 $0x88, s3;
	s6 =	simm.s32 @!p1 $0x1082;
	[sflag:s4] =	ssyncset.s32 $0xFFFFF086  }
0x25: {  	[simem:s6], [sflag:s4] =	dma.local [hbm:s3], $0xF7A  }
0x26: {  	[smem:$0x3FA0] =	sst s1;
	(tag) =	ssettag s2;
	_ =	strace s9  }
0x27: {  	s1 =	sld [smem:$0x3FB0]  }
0x28: {  	s2 =	sld [smem:$0x3FB1]  }
0x29: {  	s4 =	sld [smem:$0x3FB3]  }
0x2a: {  	p0 =	seq.s32 s5, $0x0;
	s5 =	sld [smem:$0x3FB4]  }
0x2b: {  	s6 =	sld [smem:$0x3FB5]  }
0x2c: {  	s7 =	sld [smem:$0x3FB6]  }
0x2d: {  	s3 =	simm.s32 $0x108;
	s8 =	sld [smem:$0x3FB7]  }
0x2e: {  	s3 =	simm.s32 @!p0 $0x1082;
	s9 =	sld [smem:$0x3FB8]  }
0x2f: {  	lr =	sadd.s32 s0, s3;
	s0 =	sld [smem:$0x3FAF]  }
0x30: {  	s3 =	sld [smem:$0x3FB2]  }
0x31: {  	[smem:$0x3FBB] =	sst s10  }
0x32: {  	s10 =	sld [smem:$0x3FB9];
	_ =	sdelay $0x3  }
0x33: {  	p0 =	seq.s32 s10, $0x1;
	s10 =	sld [smem:$0x3FBB];
	_ =	sdelay $0x3  }
0x34: {  	[smem:$0x3FBB] =	sst s10  }
0x35: {  	s10 =	sld [smem:$0x3FBA];
	_ =	sdelay $0x3  }
0x36: {  	p1 =	seq.s32 s10, $0x1;
	s10 =	sld [smem:$0x3FBB];
	_ =	sdelay $0x3  }
0x37: {  	[smem:$0x3FBB] =	sst s10  }
0x38: {  	s10 =	sld [smem:$0x3FBC]  }
0x39: {  	_ = 	snop;
	(pc) =	sbr.ind lr, $3  }
0x3a: {  	_ = 	snop  }
0x3b: {  	_ = 	snop  }
0x3c: {  	p2 =	seq.s32 s10, $0x1;
	s10 =	sld [smem:$0x3FBB]  }
0x3d: {  	_ =	shalt  }
0x3e: {  	_ =	shalt  }
0x3f: {  	_ =	shalt  }
0x40: {  	_ =	shalt  }
0x41: {  	_ =	shalt  }
0x42: {  	_ =	shalt  }
0x43: {  	_ =	shalt  }
0x44: {  	_ =	shalt  }
0x45: {  	_ =	shalt  }
0x46: {  	_ =	shalt  }
0x47: {  	_ =	shalt  }
0x48: {  	_ =	shalt  }
0x49: {  	_ =	shalt  }
0x4a: {  	_ =	shalt  }
0x4b: {  	_ =	shalt  }
0x4c: {  	_ =	shalt  }
0x4d: {  	_ =	shalt  }
0x4e: {  	_ =	shalt  }
0x4f: {  	_ =	shalt  }
0x50: {  	_ =	shalt  }
0x51: {  	_ =	shalt  }
0x52: {  	_ =	shalt  }
0x53: {  	_ =	shalt  }
0x54: {  	_ =	shalt  }
0x55: {  	_ =	shalt  }
0x56: {  	_ =	shalt  }
0x57: {  	_ =	shalt  }
0x58: {  	_ =	shalt  }
0x59: {  	_ =	shalt  }
0x5a: {  	_ =	shalt  }
0x5b: {  	_ =	shalt  }
0x5c: {  	_ =	shalt  }
0x5d: {  	_ =	shalt  }
0x5e: {  	_ =	shalt  }
0x5f: {  	_ =	shalt  }
0x60: {  	_ =	shalt  }
0x61: {  	_ =	shalt  }
0x62: {  	_ =	shalt  }
0x63: {  	_ =	shalt  }
0x64: {  	_ =	shalt  }
0x65: {  	_ =	shalt  }
0x66: {  	_ =	shalt  }
0x67: {  	_ =	shalt  }
0x68: {  	_ =	shalt  }
0x69: {  	_ =	shalt  }
0x6a: {  	_ =	shalt  }
0x6b: {  	_ =	shalt  }
0x6c: {  	_ =	shalt  }
0x6d: {  	_ =	shalt  }
0x6e: {  	_ =	shalt  }
0x6f: {  	_ =	shalt  }
0x70: {  	_ =	shalt  }
0x71: {  	_ =	shalt  }
0x72: {  	_ =	shalt  }
0x73: {  	_ =	shalt  }
0x74: {  	_ =	shalt  }
0x75: {  	_ =	shalt  }
0x76: {  	_ =	shalt  }
0x77: {  	_ =	shalt  }
0x78: {  	_ =	shalt  }
0x79: {  	_ =	shalt  }
0x7a: {  	_ =	shalt  }
0x7b: {  	_ =	shalt  }
0x7c: {  	_ =	shalt  }
0x7d: {  	_ =	shalt  }
0x7e: {  	_ =	shalt  }
0x7f: {  	_ =	shalt  }
0x80: {  	_ =	shalt  }
0x81: {  	_ =	shalt  }
0x82: {  	_ =	shalt  }
0x83: {  	_ =	shalt  }
0x84: {  	_ =	shalt  }
0x85: {  	_ =	shalt  }
0x86: {  	_ =	shalt  }
0x87: {  	_ =	shalt  }
.Lfunc_end0:
.L_simem_size_0:
called_computation_lowered:
.L_overlay_start_0:
0x88: {  	s2 =	sld [smem:$0x3FD9]  }
0x89: {  	s3 =	sld [smem:$0x3FFE];
	_ =	sdelay $0x1  }
0x8a: {  	s1 =	srdreg.scid  }
0x8b: {  	s0 =	sand.u32 $0x1, s1  }
0x8c: {  	s17 =	sshll.u32 s0, $0xA;
	s2 =	sadd.s32 s3, s2  }
0x8d: {  	s2 =	sadd.s32 s2, s17  }
0x8e: {  	[smem:$0x3FC7] =	sst s2  }
0x8f: {  	_ = 	snop  }
0x90: {  	s2 =	sld [smem:$0x3FD0];
	(tm) =	ssettm $0x1  }
0x91: {  	s18 =	sld [smem:$0x3FFB];
	_ =	sdelay $0x3  }
0x92: {  	_ =	strace s18  }
0x93: {  	s3 =	sld [smem:$0x3FFC];
	_ =	sdelay $0x3  }
0x94: {  	_ =	strace s3  }
0x95: {  	s3 =	sld [smem:$0x3FFD];
	_ =	sdelay $0x3  }
0x96: {  	_ =	strace s3  }
0x97: {  	_ =	strace $0x8FFFFFFF  }
0x98: {  	s19 =	sld [smem:$0x3FDB];
	_ =	sdelay $0x1  }
0x99: {  	s4 =	simm.s32 $_scs_section_size  }
0x9a: {  	s5 =	simm.s32 $_size__tile_overlayer_lowered;
	s6 =	simm.s32 $_tile_overlayer_lowered  }
0x9b: {  	s22 =	simm.s32 $0x1BFF;
	s21 =	sshll.u32 s6, $0x1;
	s3 =	sadd.s32 s4, s19  }
0x9c: {  	s7 =	simm.s32 $0x0;
	s20 =	sshll.u32 s5, $0x1;
	s5 =	sadd.s32 s21, s3  }
0x9d: {  	[timem:s7], [sflag:s22] =	dma.local [hbm:s5], s20  }
0x9e: {  	_ =	swait.ge [sflag:s22], s20  }
0x9f: {  	s4 =	ssub.s32 $0x0, s20;
	[sflag:s22] =	ssyncset.done $0x0  }
0xa0: {  	[sflag:s22] =	ssyncadd.s32 s4;
	_ =	sdelay $0x1  }
0xa1: {  	s23 =	simm.s32 $0x1B8B  }
0xa2: {  	_ =	swait.ge [sflag:s23], $0x1  }
0xa3: {  	[sflag:s23] =	ssyncset.done $0x0  }
0xa4: {  	s25 =	simm.s32 $0x1B8E;
	s24 =	sld [smem:$0x3FFE];
	[sflag:s23] =	ssyncadd.s32 $0xFFFFFFFF  }
0xa5: {  	s26 =	simm.s32 $execute0_lowered;
	[smem:$0x3FD2] =	sst s25  }
0xa6: {  	s5 =	sshll.u32 s26, $0x1;
	_ =	strace $0x80000046;
	[dreg:$0x1] =	wrdreg $0xFFFFFFFF  }
0xa7: {  	s28 =	simm.s32 $_size_execute0_lowered;
	s3 =	sadd.s32 s3, s5;
	[dreg:$0x0] =	wrdreg $0x0  }
0xa8: {  	s5 =	sshll.u32 s28, $0x1;
	[dreg:$0x2] =	wrdreg s3  }
0xa9: {  	[dreg:$0x3] =	wrdreg s5  }
0xaa: {  	[dreg:$0x4] =	wrdreg $0xC0  }
0xab: {  	_ =	task [dreg:s7], $0x5FFFF  }
0xac: {  	[dreg:$0x1] =	wrdreg $0xFFFFFFFF  }
0xad: {  	[dreg:$0x0] =	wrdreg $0x60  }
0xae: {  	[dreg:$0x2] =	wrdreg s24  }
0xaf: {  	[dreg:$0x3] =	wrdreg s2  }
0xb0: {  	[dreg:$0x4] =	wrdreg $0x9  }
0xb1: {  	_ =	task.clear_ibuf [dreg:s7], $0x5FFFF;
	_ =	strace $0x90000046  }
0xb2: {  	s29 =	simm.s32 $0x9;
	_ =	strace $0x80000048  }
0xb3: {  	_ =	swait.ge [sflag:s29], $0x1  }
0xb4: {  	[sflag:s29] =	ssyncadd.s32 $0xFFFFFFFF  }
0xb5: {  	_ =	strace $0x90000048  }
0xb6: {  	_ =	sfence  }
0xb7: {  	s30 =	sld [smem:$0x0];
	_ =	sdelay $0x2  }
0xb8: {  	s31 =	sshll.u32 s1, $0xD;
	s1 =	sshrl.u32 s1, $0x2  }
0xb9: {  	s3 =	sand.u32 $0x4000, s31;
	s1 =	sadd.s32 s1, s30  }
0xba: {  	s0 =	sor.u32 s3, s0;
	s1 =	sshll.u32 s1, $0x11  }
0xbb: {  	s0 =	sor.u32 s1, s0  }
0xbc: {  	s0 =	sadd.s32 $0x8F2B, s0  }
0xbd: {  	[sflag:s0] =	ssyncadd.remote.s32 $0x1  }
0xbe: {  	_ =	sfence.sel $0xFFFF  }
0xbf: {  	[dreg:$0x0] =	wrdreg $0xFFFFFFFF;
	(pc) =	sbr.abs _section_cstart, $3  }
0xc0: {  	[dreg:$0x1] =	wrdreg $0xFFFFFFFF  }
0xc1: {  	_ =	task.clear_ibuf [dreg:s7], $0x2FFFF;
	_ =	strace $0x9FFFFFFF  }
0xc2: {  	(tm) =	ssettm $0x7FFFFFFF  }
0xc3: {  	_ =	shalt  }
tec
execute0_lowered:
.L_overlay_start_1:
0x0: {  	(tag) =	ssettag $0x1  }
0x1: {  	s3 =	rddreg [dreg:$0x0]  }
0x2: {  	s8 =	rddreg [dreg:$0x1]  }
0x3: {  	s0 =	rddreg [dreg:$0x2];
	s4 =	srdreg.scid  }
0x4: {  	s2 =	simm.s32 $0x0;
	s1 =	stileid.u32;
	s11 =	simm.s32 $0x5  }
0x5: {  	s12 =	simm.s32 $0x1C00;
	s13 =	simm.s32 $0x400;
	s14 =	simm.s32 $0x8000  }
0x6: {  	v0 =	vlaneseq.u32;
	s15 =	simm.s32 $0xE400;
	s16 =	simm.s32 $0x14800;
	s17 =	simm.s32 $0x1AC00  }
0x7: {  	v1 =	vimm.s32 $0x0;
	v2 =	vimm.s32 $0x1;
	s18 =	simm.s32 $0x1;
	s19 =	simm.s32 $0x2;
	s20 =	simm.s32 $0x3;
	v3 =	vor.u32 $0x10, v0  }
0x8: {  	s21 =	simm.s32 $0x4;
	s22 =	simm.s32 $0x0;
	s4 =	sand.u32 $0x1, s4;
	v4 =	vor.u32 $0x20, v0;
	v5 =	vor.u32 $0x30, v0;
	v6 =	vor.u32 $0x40, v0  }
0x9: {  	[smem:$0x7FF] =	sst s2;
	s5 =	sshll.u32 s1, $0x5;
	s9 =	sshll.u32 s1, $0xB;
	v7 =	vor.u32 $0x50, v0;
	v8 =	vor.u32 $0x60, v0;
	v9 =	vor.u32 $0x70, v0  }
0xa: {  	v10 =	vor.u32 $0xFFFF9C00, v0;
	v11 =	vor.u32 $0xFFFF9C10, v0;
	v12 =	vor.u32 $0xFFFF9C20, v0;
	s6 =	sshll.u32 s4, $0x4;
	_ =	strace $0x80000047;
	s25 =	ssub.s32 $0x2, s4  }
0xb: {  	v13 =	vor.u32 $0xFFFF9C30, v0;
	v14 =	vor.u32 $0xFFFF9C40, v0;
	v15 =	vor.u32 $0xFFFF9C50, v0;
	s4 =	sshll.u32 s4, $0xA;
	s5 =	sor.u32 s6, s5;
	s7 =	sshrl.u32 s25, $0x1  }
0xc: {  	v16 =	vor.u32 $0xFFFF9C60, v0;
	v17 =	vor.u32 $0xFFFF9C70, v0;
	v18 =	vor.u32 $0xFFFF3800, v0;
	s28 =	sor.u32 s4, s9;
	s3 =	sadd.s32 s5, s3;
	s26 =	ssub.s32 s25, s7  }
0xd: {  	v19 =	vor.u32 $0xFFFF3810, v0;
	v20 =	vor.u32 $0xFFFF3820, v0;
	v21 =	vor.u32 $0xFFFF3830, v0;
	s29 =	sshrl.u32 s28, $0x3;
	s30 =	sor.u32 $0xC8000, s28;
	s9 =	sor.u32 $0x190000, s28  }
0xe: {  	v22 =	vor.u32 $0xFFFF3840, v0;
	v23 =	vor.u32 $0xFFFF3850, v0;
	v24 =	vor.u32 $0xFFFF3860, v0;
	s10 =	sor.u32 $0x258000, s28;
	s3 =	sadd.s32 $0x400, s3;
	s4 =	smax.u32 s26, $0x1  }
0xf: {  	v25 =	vor.u32 $0xFFFF3870, v0;
	v26 =	vor.u32 $0xFFFED400, v0;
	v27 =	vor.u32 $0xFFFED410, v0;
	s5 =	sadd.s32 s29, s8;
	s7 =	sshrl.u32 s30, $0x3;
	s9 =	sshrl.u32 s9, $0x3  }
0x10: {  	v28 =	vor.u32 $0xFFFED420, v0;
	v29 =	vor.u32 $0xFFFED430, v0;
	v30 =	vor.u32 $0xFFFED440, v0;
	s31 =	sshrl.u32 s10, $0x3;
	s10 =	simm.s32 $0x1000;
	s6 =	sadd.s32 s7, s8  }
0x11: {  	v31 =	vor.u32 $0xFFFED450, v0;
	v32 =	vor.u32 $0xFFFED460, v0;
	v33 =	vor.u32 $0xFFFED470, v0;
	s7 =	sadd.s32 s9, s8;
	s8 =	sadd.s32 s31, s8;
	s9 =	simm.s32 $0x80  }
.LBB2_1:
0x12: {  	s23 =	sand.u32 $0x1FE00, s2  }
0x13: {  	s25 =	sand.u32 $0x70, s2;
	s23 =	sshrl.u32 s23, $0x2  }
0x14: {  	s24 =	simm.s32 $0x40;
	s26 =	sor.u32 s25, s23;
	s25 =	simm.s32 $0x0  }
.LBB2_2:
0x15: {  	p0 =	sne.s32 s24, $0x18FC0  }
0x16: {  	[tilespmem:s26+$0x1C00] =	vst v1;
	s25 =	sadd.s32 $0x10, s25;
	s23 =	smov.u32 s24;
	s24 =	sadd.s32 $0x40, s24  }
.Ltmp0:
0x17: {  	(pc) =	sbr.rel @p0 .LBB2_2-.Ltmp0, $4  }
0x18: {  	_ = 	snop  }
0x19: {  	s23 =	sand.u32 $0x1FE00, s23  }
0x1a: {  	s26 =	sand.u32 $0x70, s25;
	s23 =	sshrl.u32 s23, $0x2  }
0x1b: {  	s26 =	sor.u32 s26, s23;
	s23 =	simm.s32 $0x0  }
0x1c: {  	s24 =	sand.u32 $0x1FE00, s23  }
0x1d: {  	s25 =	sand.u32 $0x70, s23;
	s28 =	sshrl.u32 s24, $0x2  }
0x1e: {  	[tilespmem:s26+$0x1C00] =	vst v1;
	s24 =	simm.s32 $0x40;
	s26 =	sor.u32 s25, s28;
	s25 =	simm.s32 $0x0  }
.LBB2_4:
0x1f: {  	p0 =	sne.s32 s24, $0x18FC0  }
0x20: {  	[tilespmem:s26+$0x8000] =	vst v1;
	s25 =	sadd.s32 $0x10, s25;
	s26 =	smov.u32 s24;
	s24 =	sadd.s32 $0x40, s24  }
.Ltmp1:
0x21: {  	(pc) =	sbr.rel @p0 .LBB2_4-.Ltmp1, $4  }
0x22: {  	_ = 	snop  }
0x23: {  	s26 =	sand.u32 $0x1FE00, s26  }
0x24: {  	s28 =	sand.u32 $0x70, s25;
	s26 =	sshrl.u32 s26, $0x2  }
0x25: {  	s26 =	sor.u32 s28, s26  }
0x26: {  	[tilespmem:s26+$0x8000] =	vst v1;
	s24 =	simm.s32 $0x0  }
.LBB2_6:
0x27: {  	p0 =	sne.s32 s24, $0x18FC0  }
.Ltmp2:
0x28: {  	_ = 	snop;
	(pc) =	sbr.rel @p0 .LBB2_6-.Ltmp2, $4  }
0x29: {  	s25 =	sand.u32 $0x1FE00, s24  }
0x2a: {  	s26 =	sand.u32 $0x70, s23;
	s25 =	sshrl.u32 s25, $0x2  }
0x2b: {  	s25 =	sor.u32 s26, s25  }
0x2c: {  	s23 =	sadd.s32 $0x10, s23;
	s24 =	sadd.s32 $0x40, s24;
	[tilespmem:s25+$0xE400] =	vst v1  }
0x2d: {  	s23 =	simm.s32 $0x0  }
0x2e: {  	s24 =	sand.u32 $0x1FE00, s23  }
0x2f: {  	s25 =	sand.u32 $0x70, s23;
	s26 =	sshrl.u32 s24, $0x2  }
0x30: {  	s24 =	simm.s32 $0x40;
	s25 =	sor.u32 s25, s26  }
.LBB2_8:
0x31: {  	p0 =	sne.s32 s24, $0x199C0  }
0x32: {  	[tilespmem:s25+$0x14800] =	vst v1;
	s23 =	sadd.s32 $0x10, s23;
	s25 =	smov.u32 s24;
	s24 =	sadd.s32 $0x40, s24  }
.Ltmp3:
0x33: {  	(pc) =	sbr.rel @p0 .LBB2_8-.Ltmp3, $4  }
0x34: {  	_ = 	snop  }
0x35: {  	s25 =	sand.u32 $0x1FE00, s25  }
0x36: {  	s26 =	sand.u32 $0x70, s23;
	s25 =	sshrl.u32 s25, $0x2  }
0x37: {  	s25 =	sor.u32 s26, s25  }
0x38: {  	[tilespmem:s25+$0x14800] =	vst v1;
	s23 =	simm.s32 $0x0  }
0x39: {  	[tilespmem:s23], [sflag:$0x5] =	stream.strided.gather [hbm4b:s3+s9], $0x1900, s10, s9, $0x38;
	[tilespmem:$0x1B000] =	vst v63  }
0x3a: {  	_ =	swait.ge [sflag:s11], $0x1900  }
0x3b: {  	[sflag:s11] =	ssyncset.done $0x0  }
0x3c: {  	s24 =	simm.s32 $0x0;
	[sflag:s11] =	ssyncadd.s32 $0xFFFFE700  }
.LBB2_10:
0x3d: {  	p0 =	seq.s32 s24, $0x0  }
0x3e: {  	s25 =	simm.s32 @!p0 $0x1  }
0x3f: {  	_ =	swait.ge @!p0 [sflag:s25], $0x6400  }
0x40: {  	[sflag:s25] =	ssyncset.done @!p0 $0x0  }
0x41: {  	[sflag:s25] =	ssyncadd.s32 @!p0 $0xFFFF9C00;
	s25 =	sshra.s32 @!p0 s23, $0x2  }
0x42: {  	v34 =	vld @!p0 [tilespmem:s25+$0xFFFFFF80];
	_ =	sdelay $0x4  }
0x43: {  	vm0 =	vlt.u32 @!p0 v34, $0xC8;
	v35 =	vshll.u32 @!p0 v34, $0x7;
	v34 =	vlaneseq.u32 @!p0  }
0x44: {  	v36 =	vor.u32 @!p0 v34, v35;
	_ =	sdelay $0x3  }
0x45: {  	s26 =	simm.s32 @!p0 $0x1C00;
	v35 =	vimm.s32 @!p0 $0x0  }
0x46: {  	[tilespmem:v36+s26+$0x0] =	vst.idx.msk @!p0 vm0, v35  }
0x47: {  	v36 =	vld @!p0 [tilespmem:s25+$0xFFFFFF90];
	_ =	sdelay $0x4  }
0x48: {  	v37 =	vor.u32 @!p0 $0x10, v34;
	vm0 =	vlt.u32 @!p0 v36, $0xC8;
	v36 =	vshll.u32 @!p0 v36, $0x7  }
0x49: {  	v36 =	vor.u32 @!p0 v37, v36;
	_ =	sdelay $0x4  }
0x4a: {  	[tilespmem:v36+s26+$0x0] =	vst.idx.msk @!p0 vm0, v35  }
0x4b: {  	v36 =	vld @!p0 [tilespmem:s25+$0xFFFFFFA0];
	_ =	sdelay $0x4  }
0x4c: {  	v37 =	vor.u32 @!p0 $0x20, v34;
	vm0 =	vlt.u32 @!p0 v36, $0xC8;
	v36 =	vshll.u32 @!p0 v36, $0x7  }
0x4d: {  	v36 =	vor.u32 @!p0 v37, v36;
	_ =	sdelay $0x4  }
0x4e: {  	[tilespmem:v36+s26+$0x0] =	vst.idx.msk @!p0 vm0, v35  }
0x4f: {  	v36 =	vld @!p0 [tilespmem:s25+$0xFFFFFFB0];
	_ =	sdelay $0x4  }
0x50: {  	v37 =	vor.u32 @!p0 $0x30, v34;
	vm0 =	vlt.u32 @!p0 v36, $0xC8;
	v36 =	vshll.u32 @!p0 v36, $0x7  }
0x51: {  	v36 =	vor.u32 @!p0 v37, v36;
	_ =	sdelay $0x4  }
0x52: {  	[tilespmem:v36+s26+$0x0] =	vst.idx.msk @!p0 vm0, v35  }
0x53: {  	v36 =	vld @!p0 [tilespmem:s25+$0xFFFFFFC0];
	_ =	sdelay $0x4  }
0x54: {  	v37 =	vor.u32 @!p0 $0x40, v34;
	vm0 =	vlt.u32 @!p0 v36, $0xC8;
	v36 =	vshll.u32 @!p0 v36, $0x7  }
0x55: {  	v36 =	vor.u32 @!p0 v37, v36;
	_ =	sdelay $0x4  }
0x56: {  	[tilespmem:v36+s26+$0x0] =	vst.idx.msk @!p0 vm0, v35  }
0x57: {  	v36 =	vld @!p0 [tilespmem:s25+$0xFFFFFFD0];
	_ =	sdelay $0x4  }
0x58: {  	v37 =	vor.u32 @!p0 $0x50, v34;
	vm0 =	vlt.u32 @!p0 v36, $0xC8;
	v36 =	vshll.u32 @!p0 v36, $0x7  }
0x59: {  	v36 =	vor.u32 @!p0 v37, v36;
	_ =	sdelay $0x4  }
0x5a: {  	[tilespmem:v36+s26+$0x0] =	vst.idx.msk @!p0 vm0, v35  }
0x5b: {  	v36 =	vld @!p0 [tilespmem:s25+$0xFFFFFFE0];
	_ =	sdelay $0x4  }
0x5c: {  	v37 =	vor.u32 @!p0 $0x60, v34;
	vm0 =	vlt.u32 @!p0 v36, $0xC8;
	v36 =	vshll.u32 @!p0 v36, $0x7  }
0x5d: {  	v36 =	vor.u32 @!p0 v37, v36;
	_ =	sdelay $0x4  }
0x5e: {  	[tilespmem:v36+s26+$0x0] =	vst.idx.msk @!p0 vm0, v35  }
0x5f: {  	v36 =	vld @!p0 [tilespmem:s25+$0xFFFFFFF0];
	_ =	sdelay $0x4  }
0x60: {  	v37 =	vor.u32 @!p0 $0x70, v34;
	vm0 =	vlt.u32 @!p0 v36, $0xC8;
	v36 =	vshll.u32 @!p0 v36, $0x7  }
0x61: {  	v36 =	vor.u32 @!p0 v37, v36;
	_ =	sdelay $0x2  }
0x62: {  	s25 =	smov.u32 s23  }
0x63: {  	s25 =	simm.s32 @p0 $0x0  }
0x64: {  	s25 =	sshra.s32 s25, $0x2;
	[tilespmem:v36+s26+$0x0] =	vst.idx.msk @!p0 vm0, v35  }
0x65: {  	v36 =	vld [tilespmem:s25+$0x0];
	_ =	sdelay $0x4  }
0x66: {  	vm8 =	vlt.u32 v36, $0xC8;
	v36 =	vshll.u32 v36, $0x7  }
0x67: {  	v36 =	vor.u32 v0, v36;
	_ =	sdelay $0x4  }
0x68: {  	[tilespmem:v36+s12+$0x0] =	vst.idx.msk vm8, v2  }
0x69: {  	v36 =	vld [tilespmem:s25+$0x10];
	_ =	sdelay $0x4  }
0x6a: {  	vm9 =	vlt.u32 v36, $0xC8;
	v36 =	vshll.u32 v36, $0x7  }
0x6b: {  	v36 =	vor.u32 v3, v36;
	_ =	sdelay $0x4  }
0x6c: {  	[tilespmem:v36+s12+$0x0] =	vst.idx.msk vm9, v2  }
0x6d: {  	v36 =	vld [tilespmem:s25+$0x20];
	_ =	sdelay $0x4  }
0x6e: {  	vm10 =	vlt.u32 v36, $0xC8;
	v36 =	vshll.u32 v36, $0x7  }
0x6f: {  	v36 =	vor.u32 v4, v36;
	_ =	sdelay $0x4  }
0x70: {  	[tilespmem:v36+s12+$0x0] =	vst.idx.msk vm10, v2  }
0x71: {  	v36 =	vld [tilespmem:s25+$0x30];
	_ =	sdelay $0x4  }
0x72: {  	vm11 =	vlt.u32 v36, $0xC8;
	v36 =	vshll.u32 v36, $0x7  }
0x73: {  	v36 =	vor.u32 v5, v36;
	_ =	sdelay $0x4  }
0x74: {  	[tilespmem:v36+s12+$0x0] =	vst.idx.msk vm11, v2  }
0x75: {  	v36 =	vld [tilespmem:s25+$0x40];
	_ =	sdelay $0x4  }
0x76: {  	vm12 =	vlt.u32 v36, $0xC8;
	v36 =	vshll.u32 v36, $0x7  }
0x77: {  	v36 =	vor.u32 v6, v36;
	_ =	sdelay $0x4  }
0x78: {  	[tilespmem:v36+s12+$0x0] =	vst.idx.msk vm12, v2  }
0x79: {  	v36 =	vld [tilespmem:s25+$0x50];
	_ =	sdelay $0x4  }
0x7a: {  	vm13 =	vlt.u32 v36, $0xC8;
	v36 =	vshll.u32 v36, $0x7  }
0x7b: {  	v36 =	vor.u32 v7, v36;
	_ =	sdelay $0x4  }
0x7c: {  	[tilespmem:v36+s12+$0x0] =	vst.idx.msk vm13, v2  }
0x7d: {  	v36 =	vld [tilespmem:s25+$0x60];
	_ =	sdelay $0x4  }
0x7e: {  	vm14 =	vlt.u32 v36, $0xC8;
	v36 =	vshll.u32 v36, $0x7  }
0x7f: {  	v36 =	vor.u32 v8, v36;
	_ =	sdelay $0x4  }
0x80: {  	[tilespmem:v36+s12+$0x0] =	vst.idx.msk vm14, v2  }
0x81: {  	v36 =	vld [tilespmem:s25+$0x70];
	_ =	sdelay $0x4  }
0x82: {  	vm15 =	vlt.u32 v36, $0xC8;
	v36 =	vshll.u32 v36, $0x7  }
0x83: {  	v36 =	vor.u32 v9, v36;
	_ =	sdelay $0x4  }
0x84: {  	s28 =	sadd.s32 s24, s5;
	s26 =	simm.s32 @!p0 $0x2;
	[tilespmem:v36+s12+$0x0] =	vst.idx.msk vm15, v2  }
0x85: {  	[hbm4b:s28+s13] =	stream.strided.scatter [tilespmem:s12], [sflag:$0x1], $0x6400, s14, s13, $0x38;
	[tilespmem:$0x1B000] =	vst v63  }
0x86: {  	_ =	swait.ge @!p0 [sflag:s26], $0x6400  }
0x87: {  	[sflag:s26] =	ssyncset.done @!p0 $0x0  }
0x88: {  	[sflag:s26] =	ssyncadd.s32 @!p0 $0xFFFF9C00  }
0x89: {  	v36 =	vld @!p0 [tilespmem:s25+$0xFFFFFF80];
	_ =	sdelay $0x4  }
0x8a: {  	v37 =	vadd.s32 @!p0 $0xFFFFFF38, v36  }
0x8b: {  	v36 =	vshll.u32 @!p0 v36, $0x7;
	vm0 =	vlt.u32 @!p0 v37, $0xC8;
	v37 =	vor.u32 @!p0 $0xFFFF9C00, v34  }
0x8c: {  	v36 =	vadd.s32 @!p0 v37, v36;
	_ =	sdelay $0x3  }
0x8d: {  	s26 =	simm.s32 @!p0 $0x8000  }
0x8e: {  	[tilespmem:v36+s26+$0x0] =	vst.idx.msk @!p0 vm0, v35  }
0x8f: {  	v36 =	vld @!p0 [tilespmem:s25+$0xFFFFFF90];
	_ =	sdelay $0x4  }
0x90: {  	v37 =	vadd.s32 @!p0 $0xFFFFFF38, v36  }
0x91: {  	v36 =	vshll.u32 @!p0 v36, $0x7;
	vm0 =	vlt.u32 @!p0 v37, $0xC8;
	v37 =	vor.u32 @!p0 $0xFFFF9C10, v34  }
0x92: {  	v36 =	vadd.s32 @!p0 v37, v36;
	_ =	sdelay $0x4  }
0x93: {  	[tilespmem:v36+s26+$0x0] =	vst.idx.msk @!p0 vm0, v35  }
0x94: {  	v36 =	vld @!p0 [tilespmem:s25+$0xFFFFFFA0];
	_ =	sdelay $0x4  }
0x95: {  	v37 =	vadd.s32 @!p0 $0xFFFFFF38, v36  }
0x96: {  	v36 =	vshll.u32 @!p0 v36, $0x7;
	vm0 =	vlt.u32 @!p0 v37, $0xC8;
	v37 =	vor.u32 @!p0 $0xFFFF9C20, v34  }
0x97: {  	v36 =	vadd.s32 @!p0 v37, v36;
	_ =	sdelay $0x4  }
0x98: {  	[tilespmem:v36+s26+$0x0] =	vst.idx.msk @!p0 vm0, v35  }
0x99: {  	v36 =	vld @!p0 [tilespmem:s25+$0xFFFFFFB0];
	_ =	sdelay $0x4  }
0x9a: {  	v37 =	vadd.s32 @!p0 $0xFFFFFF38, v36  }
0x9b: {  	v36 =	vshll.u32 @!p0 v36, $0x7;
	vm0 =	vlt.u32 @!p0 v37, $0xC8;
	v37 =	vor.u32 @!p0 $0xFFFF9C30, v34  }
0x9c: {  	v36 =	vadd.s32 @!p0 v37, v36;
	_ =	sdelay $0x4  }
0x9d: {  	[tilespmem:v36+s26+$0x0] =	vst.idx.msk @!p0 vm0, v35  }
0x9e: {  	v36 =	vld @!p0 [tilespmem:s25+$0xFFFFFFC0];
	_ =	sdelay $0x4  }
0x9f: {  	v37 =	vadd.s32 @!p0 $0xFFFFFF38, v36  }
0xa0: {  	v36 =	vshll.u32 @!p0 v36, $0x7;
	vm0 =	vlt.u32 @!p0 v37, $0xC8;
	v37 =	vor.u32 @!p0 $0xFFFF9C40, v34  }
0xa1: {  	v36 =	vadd.s32 @!p0 v37, v36;
	_ =	sdelay $0x4  }
0xa2: {  	[tilespmem:v36+s26+$0x0] =	vst.idx.msk @!p0 vm0, v35  }
0xa3: {  	v36 =	vld @!p0 [tilespmem:s25+$0xFFFFFFD0];
	_ =	sdelay $0x4  }
0xa4: {  	v37 =	vadd.s32 @!p0 $0xFFFFFF38, v36  }
0xa5: {  	v36 =	vshll.u32 @!p0 v36, $0x7;
	vm0 =	vlt.u32 @!p0 v37, $0xC8;
	v37 =	vor.u32 @!p0 $0xFFFF9C50, v34  }
0xa6: {  	v36 =	vadd.s32 @!p0 v37, v36;
	_ =	sdelay $0x4  }
0xa7: {  	[tilespmem:v36+s26+$0x0] =	vst.idx.msk @!p0 vm0, v35  }
0xa8: {  	v36 =	vld @!p0 [tilespmem:s25+$0xFFFFFFE0];
	_ =	sdelay $0x4  }
0xa9: {  	v37 =	vadd.s32 @!p0 $0xFFFFFF38, v36  }
0xaa: {  	v36 =	vshll.u32 @!p0 v36, $0x7;
	vm0 =	vlt.u32 @!p0 v37, $0xC8;
	v37 =	vor.u32 @!p0 $0xFFFF9C60, v34  }
0xab: {  	v36 =	vadd.s32 @!p0 v37, v36;
	_ =	sdelay $0x4  }
0xac: {  	[tilespmem:v36+s26+$0x0] =	vst.idx.msk @!p0 vm0, v35  }
0xad: {  	v36 =	vld @!p0 [tilespmem:s25+$0xFFFFFFF0];
	_ =	sdelay $0x4  }
0xae: {  	v37 =	vadd.s32 @!p0 $0xFFFFFF38, v36  }
0xaf: {  	v36 =	vshll.u32 @!p0 v36, $0x7;
	vm0 =	vlt.u32 @!p0 v37, $0xC8;
	v37 =	vor.u32 @!p0 $0xFFFF9C70, v34  }
0xb0: {  	v36 =	vadd.s32 @!p0 v37, v36;
	_ =	sdelay $0x4  }
0xb1: {  	[tilespmem:v36+s26+$0x0] =	vst.idx.msk @!p0 vm0, v35  }
0xb2: {  	v36 =	vld [tilespmem:s25+$0x0];
	_ =	sdelay $0x4  }
0xb3: {  	v40 =	vadd.s32 $0xFFFFFF38, v36  }
0xb4: {  	v36 =	vshll.u32 v36, $0x7;
	vm4 =	vlt.u32 v40, $0xC8  }
0xb5: {  	v36 =	vadd.s32 v10, v36;
	_ =	sdelay $0x4  }
0xb6: {  	[tilespmem:v36+s14+$0x0] =	vst.idx.msk vm4, v2  }
0xb7: {  	v36 =	vld [tilespmem:s25+$0x10];
	_ =	sdelay $0x4  }
0xb8: {  	v41 =	vadd.s32 $0xFFFFFF38, v36  }
0xb9: {  	v36 =	vshll.u32 v36, $0x7;
	vm5 =	vlt.u32 v41, $0xC8  }
0xba: {  	v36 =	vadd.s32 v11, v36;
	_ =	sdelay $0x4  }
0xbb: {  	[tilespmem:v36+s14+$0x0] =	vst.idx.msk vm5, v2  }
0xbc: {  	v36 =	vld [tilespmem:s25+$0x20];
	_ =	sdelay $0x4  }
0xbd: {  	v42 =	vadd.s32 $0xFFFFFF38, v36  }
0xbe: {  	v36 =	vshll.u32 v36, $0x7;
	vm6 =	vlt.u32 v42, $0xC8  }
0xbf: {  	v36 =	vadd.s32 v12, v36;
	_ =	sdelay $0x4  }
0xc0: {  	[tilespmem:v36+s14+$0x0] =	vst.idx.msk vm6, v2  }
0xc1: {  	v36 =	vld [tilespmem:s25+$0x30];
	_ =	sdelay $0x4  }
0xc2: {  	v43 =	vadd.s32 $0xFFFFFF38, v36  }
0xc3: {  	v36 =	vshll.u32 v36, $0x7;
	vm7 =	vlt.u32 v43, $0xC8  }
0xc4: {  	v36 =	vadd.s32 v13, v36;
	_ =	sdelay $0x4  }
0xc5: {  	[tilespmem:v36+s14+$0x0] =	vst.idx.msk vm7, v2  }
0xc6: {  	v36 =	vld [tilespmem:s25+$0x40];
	_ =	sdelay $0x4  }
0xc7: {  	v44 =	vadd.s32 $0xFFFFFF38, v36  }
0xc8: {  	v36 =	vshll.u32 v36, $0x7;
	vm8 =	vlt.u32 v44, $0xC8  }
0xc9: {  	v36 =	vadd.s32 v14, v36;
	_ =	sdelay $0x4  }
0xca: {  	[tilespmem:v36+s14+$0x0] =	vst.idx.msk vm8, v2  }
0xcb: {  	v36 =	vld [tilespmem:s25+$0x50];
	_ =	sdelay $0x4  }
0xcc: {  	v45 =	vadd.s32 $0xFFFFFF38, v36  }
0xcd: {  	v36 =	vshll.u32 v36, $0x7;
	vm9 =	vlt.u32 v45, $0xC8  }
0xce: {  	v36 =	vadd.s32 v15, v36;
	_ =	sdelay $0x4  }
0xcf: {  	[tilespmem:v36+s14+$0x0] =	vst.idx.msk vm9, v2  }
0xd0: {  	v36 =	vld [tilespmem:s25+$0x60];
	_ =	sdelay $0x4  }
0xd1: {  	v46 =	vadd.s32 $0xFFFFFF38, v36  }
0xd2: {  	v36 =	vshll.u32 v36, $0x7;
	vm10 =	vlt.u32 v46, $0xC8  }
0xd3: {  	v36 =	vadd.s32 v16, v36;
	_ =	sdelay $0x4  }
0xd4: {  	[tilespmem:v36+s14+$0x0] =	vst.idx.msk vm10, v2  }
0xd5: {  	v36 =	vld [tilespmem:s25+$0x70];
	_ =	sdelay $0x4  }
0xd6: {  	v47 =	vadd.s32 $0xFFFFFF38, v36  }
0xd7: {  	v36 =	vshll.u32 v36, $0x7;
	vm11 =	vlt.u32 v47, $0xC8  }
0xd8: {  	v36 =	vadd.s32 v17, v36;
	_ =	sdelay $0x4  }
0xd9: {  	s29 =	sadd.s32 s24, s6;
	s26 =	simm.s32 @!p0 $0x3;
	[tilespmem:v36+s14+$0x0] =	vst.idx.msk vm11, v2  }
0xda: {  	[hbm4b:s29+s13] =	stream.strided.scatter [tilespmem:s14], [sflag:$0x2], $0x6400, s14, s13, $0x38;
	[tilespmem:$0x1B000] =	vst v63  }
0xdb: {  	_ =	swait.ge @!p0 [sflag:s26], $0x6400  }
0xdc: {  	[sflag:s26] =	ssyncset.done @!p0 $0x0  }
0xdd: {  	[sflag:s26] =	ssyncadd.s32 @!p0 $0xFFFF9C00  }
0xde: {  	v36 =	vld @!p0 [tilespmem:s25+$0xFFFFFF80];
	_ =	sdelay $0x4  }
0xdf: {  	v37 =	vadd.s32 @!p0 $0xFFFFFE70, v36  }
0xe0: {  	v36 =	vshll.u32 @!p0 v36, $0x7;
	vm0 =	vlt.u32 @!p0 v37, $0xC8;
	v37 =	vor.u32 @!p0 $0xFFFF3800, v34  }
0xe1: {  	v36 =	vadd.s32 @!p0 v37, v36;
	_ =	sdelay $0x3  }
0xe2: {  	s26 =	simm.s32 @!p0 $0xE400  }
0xe3: {  	[tilespmem:v36+s26+$0x0] =	vst.idx.msk @!p0 vm0, v35  }
0xe4: {  	v36 =	vld @!p0 [tilespmem:s25+$0xFFFFFF90];
	_ =	sdelay $0x4  }
0xe5: {  	v37 =	vadd.s32 @!p0 $0xFFFFFE70, v36  }
0xe6: {  	v36 =	vshll.u32 @!p0 v36, $0x7;
	vm0 =	vlt.u32 @!p0 v37, $0xC8;
	v37 =	vor.u32 @!p0 $0xFFFF3810, v34  }
0xe7: {  	v36 =	vadd.s32 @!p0 v37, v36;
	_ =	sdelay $0x4  }
0xe8: {  	[tilespmem:v36+s26+$0x0] =	vst.idx.msk @!p0 vm0, v35  }
0xe9: {  	v36 =	vld @!p0 [tilespmem:s25+$0xFFFFFFA0];
	_ =	sdelay $0x4  }
0xea: {  	v37 =	vadd.s32 @!p0 $0xFFFFFE70, v36  }
0xeb: {  	v36 =	vshll.u32 @!p0 v36, $0x7;
	vm0 =	vlt.u32 @!p0 v37, $0xC8;
	v37 =	vor.u32 @!p0 $0xFFFF3820, v34  }
0xec: {  	v36 =	vadd.s32 @!p0 v37, v36;
	_ =	sdelay $0x4  }
0xed: {  	[tilespmem:v36+s26+$0x0] =	vst.idx.msk @!p0 vm0, v35  }
0xee: {  	v36 =	vld @!p0 [tilespmem:s25+$0xFFFFFFB0];
	_ =	sdelay $0x4  }
0xef: {  	v37 =	vadd.s32 @!p0 $0xFFFFFE70, v36  }
0xf0: {  	v36 =	vshll.u32 @!p0 v36, $0x7;
	vm0 =	vlt.u32 @!p0 v37, $0xC8;
	v37 =	vor.u32 @!p0 $0xFFFF3830, v34  }
0xf1: {  	v36 =	vadd.s32 @!p0 v37, v36;
	_ =	sdelay $0x4  }
0xf2: {  	[tilespmem:v36+s26+$0x0] =	vst.idx.msk @!p0 vm0, v35  }
0xf3: {  	v36 =	vld @!p0 [tilespmem:s25+$0xFFFFFFC0];
	_ =	sdelay $0x4  }
0xf4: {  	v37 =	vadd.s32 @!p0 $0xFFFFFE70, v36  }
0xf5: {  	v36 =	vshll.u32 @!p0 v36, $0x7;
	vm0 =	vlt.u32 @!p0 v37, $0xC8;
	v37 =	vor.u32 @!p0 $0xFFFF3840, v34  }
0xf6: {  	v36 =	vadd.s32 @!p0 v37, v36;
	_ =	sdelay $0x4  }
0xf7: {  	[tilespmem:v36+s26+$0x0] =	vst.idx.msk @!p0 vm0, v35  }
0xf8: {  	v36 =	vld @!p0 [tilespmem:s25+$0xFFFFFFD0];
	_ =	sdelay $0x4  }
0xf9: {  	v37 =	vadd.s32 @!p0 $0xFFFFFE70, v36  }
0xfa: {  	v36 =	vshll.u32 @!p0 v36, $0x7;
	vm0 =	vlt.u32 @!p0 v37, $0xC8;
	v37 =	vor.u32 @!p0 $0xFFFF3850, v34  }
0xfb: {  	v36 =	vadd.s32 @!p0 v37, v36;
	_ =	sdelay $0x4  }
0xfc: {  	[tilespmem:v36+s26+$0x0] =	vst.idx.msk @!p0 vm0, v35  }
0xfd: {  	v36 =	vld @!p0 [tilespmem:s25+$0xFFFFFFE0];
	_ =	sdelay $0x4  }
0xfe: {  	v37 =	vadd.s32 @!p0 $0xFFFFFE70, v36  }
0xff: {  	v36 =	vshll.u32 @!p0 v36, $0x7;
	vm0 =	vlt.u32 @!p0 v37, $0xC8;
	v37 =	vor.u32 @!p0 $0xFFFF3860, v34  }
0x100: {  	v36 =	vadd.s32 @!p0 v37, v36;
	_ =	sdelay $0x4  }
0x101: {  	[tilespmem:v36+s26+$0x0] =	vst.idx.msk @!p0 vm0, v35  }
0x102: {  	v36 =	vld @!p0 [tilespmem:s25+$0xFFFFFFF0];
	_ =	sdelay $0x4  }
0x103: {  	v37 =	vadd.s32 @!p0 $0xFFFFFE70, v36  }
0x104: {  	v36 =	vshll.u32 @!p0 v36, $0x7;
	vm0 =	vlt.u32 @!p0 v37, $0xC8;
	v37 =	vor.u32 @!p0 $0xFFFF3870, v34  }
0x105: {  	v36 =	vadd.s32 @!p0 v37, v36;
	_ =	sdelay $0x4  }
0x106: {  	[tilespmem:v36+s26+$0x0] =	vst.idx.msk @!p0 vm0, v35  }
0x107: {  	v36 =	vld [tilespmem:s25+$0x0];
	_ =	sdelay $0x4  }
0x108: {  	v48 =	vadd.s32 $0xFFFFFE70, v36  }
0x109: {  	v36 =	vshll.u32 v36, $0x7;
	vm12 =	vlt.u32 v48, $0xC8  }
0x10a: {  	v36 =	vadd.s32 v18, v36;
	_ =	sdelay $0x4  }
0x10b: {  	[tilespmem:v36+s15+$0x0] =	vst.idx.msk vm12, v2  }
0x10c: {  	v36 =	vld [tilespmem:s25+$0x10];
	_ =	sdelay $0x4  }
0x10d: {  	v49 =	vadd.s32 $0xFFFFFE70, v36  }
0x10e: {  	v36 =	vshll.u32 v36, $0x7;
	vm13 =	vlt.u32 v49, $0xC8  }
0x10f: {  	v36 =	vadd.s32 v19, v36;
	_ =	sdelay $0x4  }
0x110: {  	[tilespmem:v36+s15+$0x0] =	vst.idx.msk vm13, v2  }
0x111: {  	v36 =	vld [tilespmem:s25+$0x20];
	_ =	sdelay $0x4  }
0x112: {  	v50 =	vadd.s32 $0xFFFFFE70, v36  }
0x113: {  	v36 =	vshll.u32 v36, $0x7;
	vm14 =	vlt.u32 v50, $0xC8  }
0x114: {  	v36 =	vadd.s32 v20, v36;
	_ =	sdelay $0x4  }
0x115: {  	[tilespmem:v36+s15+$0x0] =	vst.idx.msk vm14, v2  }
0x116: {  	v36 =	vld [tilespmem:s25+$0x30];
	_ =	sdelay $0x4  }
0x117: {  	v51 =	vadd.s32 $0xFFFFFE70, v36  }
0x118: {  	v36 =	vshll.u32 v36, $0x7;
	vm15 =	vlt.u32 v51, $0xC8  }
0x119: {  	v36 =	vadd.s32 v21, v36;
	_ =	sdelay $0x4  }
0x11a: {  	[tilespmem:v36+s15+$0x0] =	vst.idx.msk vm15, v2  }
0x11b: {  	v36 =	vld [tilespmem:s25+$0x40];
	_ =	sdelay $0x4  }
0x11c: {  	v52 =	vadd.s32 $0xFFFFFE70, v36  }
0x11d: {  	v36 =	vshll.u32 v36, $0x7;
	vm4 =	vlt.u32 v52, $0xC8  }
0x11e: {  	v36 =	vadd.s32 v22, v36;
	_ =	sdelay $0x4  }
0x11f: {  	[tilespmem:v36+s15+$0x0] =	vst.idx.msk vm4, v2  }
0x120: {  	v36 =	vld [tilespmem:s25+$0x50];
	_ =	sdelay $0x4  }
0x121: {  	v53 =	vadd.s32 $0xFFFFFE70, v36  }
0x122: {  	v36 =	vshll.u32 v36, $0x7;
	vm5 =	vlt.u32 v53, $0xC8  }
0x123: {  	v36 =	vadd.s32 v23, v36;
	_ =	sdelay $0x4  }
0x124: {  	[tilespmem:v36+s15+$0x0] =	vst.idx.msk vm5, v2  }
0x125: {  	v36 =	vld [tilespmem:s25+$0x60];
	_ =	sdelay $0x4  }
0x126: {  	v54 =	vadd.s32 $0xFFFFFE70, v36  }
0x127: {  	v36 =	vshll.u32 v36, $0x7;
	vm6 =	vlt.u32 v54, $0xC8  }
0x128: {  	v36 =	vadd.s32 v24, v36;
	_ =	sdelay $0x4  }
0x129: {  	[tilespmem:v36+s15+$0x0] =	vst.idx.msk vm6, v2  }
0x12a: {  	v36 =	vld [tilespmem:s25+$0x70];
	_ =	sdelay $0x4  }
0x12b: {  	v55 =	vadd.s32 $0xFFFFFE70, v36  }
0x12c: {  	v36 =	vshll.u32 v36, $0x7;
	vm7 =	vlt.u32 v55, $0xC8  }
0x12d: {  	v36 =	vadd.s32 v25, v36;
	_ =	sdelay $0x4  }
0x12e: {  	s30 =	sadd.s32 s24, s7;
	s26 =	simm.s32 @!p0 $0x4;
	[tilespmem:v36+s15+$0x0] =	vst.idx.msk vm7, v2  }
0x12f: {  	[hbm4b:s30+s13] =	stream.strided.scatter [tilespmem:s15], [sflag:$0x3], $0x6400, s14, s13, $0x38;
	[tilespmem:$0x1B000] =	vst v63  }
0x130: {  	_ =	swait.ge @!p0 [sflag:s26], $0x6680  }
0x131: {  	[sflag:s26] =	ssyncset.done @!p0 $0x0  }
0x132: {  	[sflag:s26] =	ssyncadd.s32 @!p0 $0xFFFF9980  }
0x133: {  	v36 =	vld @!p0 [tilespmem:s25+$0xFFFFFF80];
	_ =	sdelay $0x4  }
0x134: {  	v37 =	vadd.s32 @!p0 $0xFFFFFDA8, v36  }
0x135: {  	v36 =	vshll.u32 @!p0 v36, $0x7;
	vm0 =	vlt.u32 @!p0 v37, $0xCD;
	v37 =	vor.u32 @!p0 $0xFFFED400, v34  }
0x136: {  	v36 =	vadd.s32 @!p0 v37, v36;
	_ =	sdelay $0x3  }
0x137: {  	s26 =	simm.s32 @!p0 $0x14800  }
0x138: {  	[tilespmem:v36+s26+$0x0] =	vst.idx.msk @!p0 vm0, v35  }
0x139: {  	v36 =	vld @!p0 [tilespmem:s25+$0xFFFFFF90];
	_ =	sdelay $0x4  }
0x13a: {  	v37 =	vadd.s32 @!p0 $0xFFFFFDA8, v36  }
0x13b: {  	v36 =	vshll.u32 @!p0 v36, $0x7;
	vm0 =	vlt.u32 @!p0 v37, $0xCD;
	v37 =	vor.u32 @!p0 $0xFFFED410, v34  }
0x13c: {  	v36 =	vadd.s32 @!p0 v37, v36;
	_ =	sdelay $0x4  }
0x13d: {  	[tilespmem:v36+s26+$0x0] =	vst.idx.msk @!p0 vm0, v35  }
0x13e: {  	v36 =	vld @!p0 [tilespmem:s25+$0xFFFFFFA0];
	_ =	sdelay $0x4  }
0x13f: {  	v37 =	vadd.s32 @!p0 $0xFFFFFDA8, v36  }
0x140: {  	v36 =	vshll.u32 @!p0 v36, $0x7;
	vm0 =	vlt.u32 @!p0 v37, $0xCD;
	v37 =	vor.u32 @!p0 $0xFFFED420, v34  }
0x141: {  	v36 =	vadd.s32 @!p0 v37, v36;
	_ =	sdelay $0x4  }
0x142: {  	[tilespmem:v36+s26+$0x0] =	vst.idx.msk @!p0 vm0, v35  }
0x143: {  	v36 =	vld @!p0 [tilespmem:s25+$0xFFFFFFB0];
	_ =	sdelay $0x4  }
0x144: {  	v37 =	vadd.s32 @!p0 $0xFFFFFDA8, v36  }
0x145: {  	v36 =	vshll.u32 @!p0 v36, $0x7;
	vm0 =	vlt.u32 @!p0 v37, $0xCD;
	v37 =	vor.u32 @!p0 $0xFFFED430, v34  }
0x146: {  	v36 =	vadd.s32 @!p0 v37, v36;
	_ =	sdelay $0x4  }
0x147: {  	[tilespmem:v36+s26+$0x0] =	vst.idx.msk @!p0 vm0, v35  }
0x148: {  	v36 =	vld @!p0 [tilespmem:s25+$0xFFFFFFC0];
	_ =	sdelay $0x4  }
0x149: {  	v37 =	vadd.s32 @!p0 $0xFFFFFDA8, v36  }
0x14a: {  	v36 =	vshll.u32 @!p0 v36, $0x7;
	vm0 =	vlt.u32 @!p0 v37, $0xCD;
	v37 =	vor.u32 @!p0 $0xFFFED440, v34  }
0x14b: {  	v36 =	vadd.s32 @!p0 v37, v36;
	_ =	sdelay $0x4  }
0x14c: {  	[tilespmem:v36+s26+$0x0] =	vst.idx.msk @!p0 vm0, v35  }
0x14d: {  	v36 =	vld @!p0 [tilespmem:s25+$0xFFFFFFD0];
	_ =	sdelay $0x4  }
0x14e: {  	v37 =	vadd.s32 @!p0 $0xFFFFFDA8, v36  }
0x14f: {  	v36 =	vshll.u32 @!p0 v36, $0x7;
	vm0 =	vlt.u32 @!p0 v37, $0xCD;
	v37 =	vor.u32 @!p0 $0xFFFED450, v34  }
0x150: {  	v36 =	vadd.s32 @!p0 v37, v36;
	_ =	sdelay $0x4  }
0x151: {  	[tilespmem:v36+s26+$0x0] =	vst.idx.msk @!p0 vm0, v35  }
0x152: {  	v36 =	vld @!p0 [tilespmem:s25+$0xFFFFFFE0];
	_ =	sdelay $0x4  }
0x153: {  	v37 =	vadd.s32 @!p0 $0xFFFFFDA8, v36  }
0x154: {  	v36 =	vshll.u32 @!p0 v36, $0x7;
	vm0 =	vlt.u32 @!p0 v37, $0xCD;
	v37 =	vor.u32 @!p0 $0xFFFED460, v34  }
0x155: {  	v36 =	vadd.s32 @!p0 v37, v36;
	_ =	sdelay $0x4  }
0x156: {  	[tilespmem:v36+s26+$0x0] =	vst.idx.msk @!p0 vm0, v35  }
0x157: {  	v36 =	vld @!p0 [tilespmem:s25+$0xFFFFFFF0];
	_ =	sdelay $0x4  }
0x158: {  	v37 =	vadd.s32 @!p0 $0xFFFFFDA8, v36  }
0x159: {  	v34 =	vor.u32 @!p0 $0xFFFED470, v34;
	v36 =	vshll.u32 @!p0 v36, $0x7;
	vm0 =	vlt.u32 @!p0 v37, $0xCD  }
0x15a: {  	v34 =	vadd.s32 @!p0 v34, v36;
	_ =	sdelay $0x4  }
0x15b: {  	[tilespmem:v34+s26+$0x0] =	vst.idx.msk @!p0 vm0, v35  }
0x15c: {  	v34 =	vld [tilespmem:s25+$0x0];
	_ =	sdelay $0x4  }
0x15d: {  	v56 =	vadd.s32 $0xFFFFFDA8, v34  }
0x15e: {  	v34 =	vshll.u32 v34, $0x7;
	vm8 =	vlt.u32 v56, $0xCD  }
0x15f: {  	v34 =	vadd.s32 v26, v34;
	_ =	sdelay $0x4  }
0x160: {  	[tilespmem:v34+s16+$0x0] =	vst.idx.msk vm8, v2  }
0x161: {  	v34 =	vld [tilespmem:s25+$0x10];
	_ =	sdelay $0x4  }
0x162: {  	v57 =	vadd.s32 $0xFFFFFDA8, v34  }
0x163: {  	v34 =	vshll.u32 v34, $0x7;
	vm9 =	vlt.u32 v57, $0xCD  }
0x164: {  	v34 =	vadd.s32 v27, v34;
	_ =	sdelay $0x4  }
0x165: {  	[tilespmem:v34+s16+$0x0] =	vst.idx.msk vm9, v2  }
0x166: {  	v34 =	vld [tilespmem:s25+$0x20];
	_ =	sdelay $0x4  }
0x167: {  	v58 =	vadd.s32 $0xFFFFFDA8, v34  }
0x168: {  	v34 =	vshll.u32 v34, $0x7;
	vm10 =	vlt.u32 v58, $0xCD  }
0x169: {  	v34 =	vadd.s32 v28, v34;
	_ =	sdelay $0x4  }
0x16a: {  	[tilespmem:v34+s16+$0x0] =	vst.idx.msk vm10, v2  }
0x16b: {  	v34 =	vld [tilespmem:s25+$0x30];
	_ =	sdelay $0x4  }
0x16c: {  	v59 =	vadd.s32 $0xFFFFFDA8, v34  }
0x16d: {  	v34 =	vshll.u32 v34, $0x7;
	vm11 =	vlt.u32 v59, $0xCD  }
0x16e: {  	v34 =	vadd.s32 v29, v34;
	_ =	sdelay $0x4  }
0x16f: {  	[tilespmem:v34+s16+$0x0] =	vst.idx.msk vm11, v2  }
0x170: {  	v34 =	vld [tilespmem:s25+$0x40];
	_ =	sdelay $0x4  }
0x171: {  	v60 =	vadd.s32 $0xFFFFFDA8, v34  }
0x172: {  	v34 =	vshll.u32 v34, $0x7;
	vm12 =	vlt.u32 v60, $0xCD  }
0x173: {  	v34 =	vadd.s32 v30, v34;
	_ =	sdelay $0x4  }
0x174: {  	[tilespmem:v34+s16+$0x0] =	vst.idx.msk vm12, v2  }
0x175: {  	v34 =	vld [tilespmem:s25+$0x50];
	_ =	sdelay $0x4  }
0x176: {  	v61 =	vadd.s32 $0xFFFFFDA8, v34  }
0x177: {  	v34 =	vshll.u32 v34, $0x7;
	vm13 =	vlt.u32 v61, $0xCD  }
0x178: {  	v34 =	vadd.s32 v31, v34;
	_ =	sdelay $0x4  }
0x179: {  	[tilespmem:v34+s16+$0x0] =	vst.idx.msk vm13, v2  }
0x17a: {  	v34 =	vld [tilespmem:s25+$0x60];
	_ =	sdelay $0x4  }
0x17b: {  	v62 =	vadd.s32 $0xFFFFFDA8, v34  }
0x17c: {  	v34 =	vshll.u32 v34, $0x7;
	vm14 =	vlt.u32 v62, $0xCD  }
0x17d: {  	v34 =	vadd.s32 v32, v34;
	_ =	sdelay $0x4  }
0x17e: {  	[tilespmem:v34+s16+$0x0] =	vst.idx.msk vm14, v2  }
0x17f: {  	v34 =	vld [tilespmem:s25+$0x70];
	_ =	sdelay $0x4  }
0x180: {  	v63 =	vadd.s32 $0xFFFFFDA8, v34  }
0x181: {  	v34 =	vshll.u32 v34, $0x7;
	vm15 =	vlt.u32 v63, $0xCD  }
0x182: {  	v34 =	vadd.s32 v33, v34;
	_ =	sdelay $0x1  }
0x183: {  	s31 =	sadd.s32 s24, s8;
	s24 =	sadd.s32 $0x65000, s24  }
0x184: {  	p0 =	sne.s32 s24, $0x13BA000  }
.Ltmp4:
0x185: {  	_ = 	snop;
	(pc) =	sbr.rel @p0 .LBB2_10-.Ltmp4, $4  }
0x186: {  	[tilespmem:v34+s16+$0x0] =	vst.idx.msk vm15, v2  }
0x187: {  	[hbm4b:s31+s13] =	stream.strided.scatter [tilespmem:s16], [sflag:$0x4], $0x6400, s14, s13, $0x38;
	[tilespmem:$0x1B000] =	vst v63  }
0x188: {  	s23 =	sadd.s32 $0x200, s23;
	s25 =	sadd.s32 $0x19000, s31  }
0x189: {  	[hbm4b:s25+s2] =	stream.linear.scatter [tilespmem:s17], [sflag:$0x4], $0x280, $0x38;
	[tilespmem:$0x1B000] =	vst v63  }
0x18a: {  	_ =	swait.ge [sflag:s18], $0x6400  }
0x18b: {  	[sflag:s18] =	ssyncset.done $0x0  }
0x18c: {  	[sflag:s18] =	ssyncadd.s32 $0xFFFF9C00  }
0x18d: {  	_ =	swait.ge [sflag:s19], $0x6400  }
0x18e: {  	[sflag:s19] =	ssyncset.done $0x0  }
0x18f: {  	s22 =	sadd.s32 $0x1, s22;
	[sflag:s19] =	ssyncadd.s32 $0xFFFF9C00  }
0x190: {  	p0 =	sne.s32 s22, s4;
	_ =	swait.ge [sflag:s20], $0x6400  }
.Ltmp5:
0x191: {  	[sflag:s20] =	ssyncset.done $0x0;
	(pc) =	sbr.rel @p0 .LBB2_1-.Ltmp5, $4  }
0x192: {  	[sflag:s20] =	ssyncadd.s32 $0xFFFF9C00  }
0x193: {  	_ =	swait.ge [sflag:s21], $0x6680  }
0x194: {  	[sflag:s21] =	ssyncset.done $0x0  }
0x195: {  	[sflag:s21] =	ssyncadd.s32 $0xFFFF9980  }
0x196: {  	_ =	sfence.sel $0x180000  }
0x197: {  	[bflag:$0x0] =	sbarrier.arrive $0xFFFF  }
0x198: {  	p0 =	sne.s32 s1, $0x0;
	_ =	strace $0x90000047  }
0x199: {  	s0 =	sadd.s32 @!p0 $0x100000, s0;
	[bflag:$0x2] =	sbarrier.arrive $0xFFFF  }
0x19a: {  	[sflag:s0] =	ssyncadd.tile.s32 @!p0 $0x1;
	_ =	shalt  }
.Lfunc_end2:
_tile_overlayer_lowered:
.L_overlay_start_2:
0x19b: {  	(tag) =	ssettag $0x2  }
0x19c: {  	s0 =	rddreg [dreg:$0x0];
	s2 =	stileid.u32  }
0x19d: {  	s1 =	rddreg [dreg:$0x1];
	p0 =	sne.s32 s2, $0x0  }
0x19e: {  	s3 =	rddreg [dreg:$0x2];
	[bflag:$0x3] =	sbarrier.arrive $0xFFFF;
	s2 =	simm.s32 @!p0 $0x1C05  }
0x19f: {  	[timem:s3], [sflag:s2] =	dma.local @!p0 [hbm:s0], s1  }
0x1a0: {  	s0 =	simm.s32 @!p0 $0x5  }
0x1a1: {  	_ =	swait.ge @!p0 [sflag:s0], s1  }
0x1a2: {  	s1 =	ssub.s32 @!p0 $0x0, s1;
	[sflag:s0] =	ssyncset.done @!p0 $0x0  }
0x1a3: {  	[sflag:s0] =	ssyncadd.s32 @!p0 s1  }
0x1a4: {  	[bflag:$0x3] =	sbarrier.arrive $0xFFFF  }
0x1a5: {  	_ =	shalt  }

</sc_bundles>
